<compile_context>
chip_gen: v7x
topology: tpu7x:2x2x1
jax: 0.10.2.dev20260603
libtpu: 0.0.44.dev20260713+nightly
codegen_flags: <defaults>
</compile_context>

<pallas_src>
import functools
import math

import jax
import jax.numpy as jnp
from jax import lax
from jax.experimental import pallas as pl
from jax.experimental.pallas import tpu as pltpu
from jax.experimental.pallas import tpu_sc as plsc

EMBED = 64
ROWS = 95
ROWS_PAD = 96
NC = 2
NS = 16
NW = NC * NS
CHUNK = 128


def _table_body(re_ref, im_ref, wt_ref, b_ref, g_ref, bt_ref, out_ref):
    acc = jnp.zeros((ROWS_PAD, EMBED), jnp.float32)
    for s in range(4):
        r = re_ref[s]
        i = im_ref[s]
        acc = acc + r * r + i * i
    nrm = jnp.sqrt(jnp.sum(acc, axis=1, keepdims=True))
    emb = jnp.sqrt(acc / ((nrm + 1e-8) ** 2) + 1e-12)
    out = jnp.dot(emb, wt_ref[...], preferred_element_type=jnp.float32)
    out = out + b_ref[...]
    mu = jnp.mean(out, axis=1, keepdims=True)
    xc = out - mu
    var = jnp.mean(xc * xc, axis=1, keepdims=True)
    out_ref[...] = xc * lax.rsqrt(var + 1e-5) * g_ref[...] + bt_ref[...]


@functools.lru_cache(maxsize=None)
def _make_gather(BL: int):
    per_w = BL // NW
    T = per_w // CHUNK
    mesh = plsc.VectorSubcoreMesh(core_axis_name="c", subcore_axis_name="s")

    NBUF = 5
    assert T % NBUF == 0
    scratch = [pltpu.VMEM((T, CHUNK), jnp.int32)]
    scratch += [pltpu.VMEM((CHUNK, EMBED), jnp.float32) for _ in range(NBUF)]
    scratch += [pltpu.SemaphoreType.DMA for _ in range(NBUF)]
    scratch += [pltpu.VMEM_SHARED((ROWS_PAD, EMBED), jnp.float32)]

    @functools.partial(
        pl.kernel,
        mesh=mesh,
        out_type=jax.ShapeDtypeStruct((BL, EMBED), jnp.float32),
        scratch_types=scratch,
        compiler_params=pltpu.CompilerParams(use_tc_tiling_on_sc=False),
    )
    def gather_kernel(table_hbm, idx_hbm, out_hbm, idx_v, *bufsem):
        bufs = bufsem[:NBUF]
        sems = bufsem[NBUF:NBUF * 2]
        tab_sh = bufsem[NBUF * 2]
        wid = lax.axis_index("s") * NC + lax.axis_index("c")
        base = wid * per_w

        @pl.when(lax.axis_index("s") == 0)
        def _():
            pltpu.sync_copy(table_hbm, tab_sh)

        pltpu.sync_copy(idx_hbm.at[wid], idx_v)
        plsc.subcore_barrier()
        for k in range(NBUF):
            pltpu.async_copy(tab_sh.at[idx_v.at[k]], bufs[k], sems[k])

        def body(i, carry):
            g = i * NBUF
            for k in range(NBUF):
                t = g + k
                pltpu.make_async_copy(
                    tab_sh.at[idx_v.at[t]], bufs[k], sems[k]).wait()
                pltpu.sync_copy(bufs[k], out_hbm.at[pl.ds(base + t * CHUNK, CHUNK)])

                @pl.when(t + NBUF < T)
                def _():
                    pltpu.async_copy(
                        tab_sh.at[idx_v.at[t + NBUF]], bufs[k], sems[k])

            return carry

        lax.fori_loop(0, T // NBUF, body, 0)

    return gather_kernel


def kernel(indices, W, b, ln_gamma, ln_beta, theta, base_re, base_im):
    Bq, L = indices.shape
    BL = Bq * L
    re_t = jnp.pad(jnp.transpose(base_re, (2, 0, 1)),
                   ((0, 0), (0, ROWS_PAD - ROWS), (0, 0)))
    im_t = jnp.pad(jnp.transpose(base_im, (2, 0, 1)),
                   ((0, 0), (0, ROWS_PAD - ROWS), (0, 0)))
    table = pl.pallas_call(
        _table_body,
        out_shape=jax.ShapeDtypeStruct((ROWS_PAD, EMBED), jnp.float32),
    )(re_t, im_t, W.T, b.reshape(1, EMBED),
      ln_gamma.reshape(1, EMBED), ln_beta.reshape(1, EMBED))

    idx2 = indices.reshape(-1).astype(jnp.int32).reshape(NW, BL // (NW * CHUNK), CHUNK)
    flat = _make_gather(BL)(table, idx2)
    return flat.reshape(Bq, L, EMBED)

# --- scband reference (transcript-rebuilt; emitter-appended) ---
"""Pipeline reference for scband-quantum-character-matrix-8993661518148 (READ-ONLY COPY).

The authoritative reference and input builder live on the scoring server;
editing this copy changes nothing except your own understanding.
"""

import jax, jax.numpy as jnp
import numpy as np
import math

EMBED_DIM = 64
ALPHA = 1.5
BETA = 0.8
FRACTAL_DIM = 1.7
NUM_CHARS = 95
B = 4096
L = 50


def _build_base_states():
    # Vectorized version of _initialize_base_quantum_states (t=0)
    idx = np.arange(NUM_CHARS, dtype=np.float64)
    lam = idx / NUM_CHARS
    k = 2.0 * math.pi / FRACTAL_DIM
    phase = -k * lam + BETA * lam ** 2  # omega*t = 0 at t=0
    amp = np.sin(ALPHA * lam)  # I0 * sin(omega*t + alpha*lambda), t=0
    j = np.arange(EMBED_DIM, dtype=np.float64)
    local_freq = 2.0 * math.pi * j / EMBED_DIM
    ph = phase[:, None] + local_freq[None, :]
    real_comp = amp[:, None] * np.cos(ph)
    i_comp = amp[:, None] * np.sin(ph)
    ff = FRACTAL_DIM / 2.0
    j_comp = real_comp * ff * np.cos(local_freq * BETA)[None, :]
    k_comp = i_comp * ff * np.sin(local_freq * BETA)[None, :]
    # quaternion-like complex components, slots 0..3
    re = np.stack([real_comp, j_comp, -i_comp, k_comp], axis=-1)
    im = np.stack([i_comp, k_comp, real_comp, -j_comp], axis=-1)
    return re.astype(np.float32), im.astype(np.float32)


def setup_inputs(seed: int = 0) -> dict:
    key = jax.random.key(seed)
    k1, k2 = jax.random.split(key, 2)
    indices = jax.random.randint(k1, (B, L), 0, NUM_CHARS)
    W = jax.random.normal(k2, (EMBED_DIM, EMBED_DIM), dtype=jnp.float32) * (1.0 / math.sqrt(EMBED_DIM))
    b = jnp.zeros((EMBED_DIM,), dtype=jnp.float32)
    ln_gamma = jnp.ones((EMBED_DIM,), dtype=jnp.float32)
    ln_beta = jnp.zeros((EMBED_DIM,), dtype=jnp.float32)
    theta = jnp.asarray(0.1, dtype=jnp.float32)
    base_re_np, base_im_np = _build_base_states()
    return {
        "indices": indices,
        "W": W,
        "b": b,
        "ln_gamma": ln_gamma,
        "ln_beta": ln_beta,
        "theta": theta,
        "base_re": jnp.asarray(base_re_np),
        "base_im": jnp.asarray(base_im_np),
    }


def reference(indices, W, b, ln_gamma, ln_beta, theta, base_re, base_im):
    # 1) embedding lookup of base quantum states: [B, L, D, 4] (complex as re/im)
    sr = jnp.take(base_re, indices, axis=0)
    si = jnp.take(base_im, indices, axis=0)
    # 2) spectral filtering F(k) = exp(i*alpha*arctan(log(|k|+eps)))
    k_vals = jnp.arange(1, EMBED_DIM + 1, dtype=jnp.float32)
    phi = ALPHA * jnp.arctan(jnp.log(k_vals + 1e-10))
    f_re = jnp.cos(phi)[None, None, :, None]
    f_im = jnp.sin(phi)[None, None, :, None]
    fr = sr * f_re - si * f_im
    fi = sr * f_im + si * f_re
    # energy preservation (per-token normalization)
    nrm = jnp.sqrt(jnp.sum(fr * fr + fi * fi, axis=(2, 3), keepdims=True))
    fr = fr / (nrm + 1e-08)
    fi = fi / (nrm + 1e-08)
    # 3) SO(4) rotation (simplified phase rotation by theta_left)
    c = jnp.cos(theta)
    s = jnp.sin(theta)
    rr = fr * c - fi * s
    ri = fr * s + fi * c
    # 4) collapse to real embedding: magnitude over quaternion slots
    emb = jnp.sqrt(jnp.sum(rr * rr + ri * ri, axis=-1) + 1e-12)  # [B, L, D]
    # 5) adaptive linear transform + layer norm
    out = emb @ W.T + b
    mu = jnp.mean(out, axis=-1, keepdims=True)
    var = jnp.var(out, axis=-1, keepdims=True)
    out = (out - mu) / jnp.sqrt(var + 1e-05) * ln_gamma + ln_beta
    return out

if __name__ == "__main__":
    import jax
    _d = setup_inputs()
    print(jax.jit(kernel)(*tuple(_d.values())))

</pallas_src>

<mosaic_0001>
#map = affine_map<(d0, d1) -> (0, 0)>
#map1 = affine_map<(d0, d1) -> (0, 0, 0)>
module attributes {stable_mosaic.version = 14 : i64} {
  func.func @gather_kernel(%arg0: i32, %arg1: i32, %arg2: memref<96x64xf32, #tpu.memory_space<hbm>>, %arg3: memref<32x50x128xi32, #tpu.memory_space<hbm>>, %arg4: memref<204800x64xf32, #tpu.memory_space<hbm>>, %arg5: memref<50x128xi32, #tpu.memory_space<vmem>>, %arg6: memref<128x64xf32, #tpu.memory_space<vmem>>, %arg7: memref<128x64xf32, #tpu.memory_space<vmem>>, %arg8: memref<128x64xf32, #tpu.memory_space<vmem>>, %arg9: memref<128x64xf32, #tpu.memory_space<vmem>>, %arg10: memref<128x64xf32, #tpu.memory_space<vmem>>, %arg11: memref<!tpu.dma_semaphore, #tpu.memory_space<semaphore_mem>>, %arg12: memref<!tpu.dma_semaphore, #tpu.memory_space<semaphore_mem>>, %arg13: memref<!tpu.dma_semaphore, #tpu.memory_space<semaphore_mem>>, %arg14: memref<!tpu.dma_semaphore, #tpu.memory_space<semaphore_mem>>, %arg15: memref<!tpu.dma_semaphore, #tpu.memory_space<semaphore_mem>>, %arg16: memref<96x64xf32, #tpu.memory_space<vmem_shared>>) attributes {dimension_semantics = [#tpu.dimension_semantics<core_parallel>, #tpu.dimension_semantics<subcore_parallel>], iteration_bounds = array<i64: 2, 16>, scalar_prefetch = 0 : i64, scratch_operands = 12 : i64, tpu.core_type = #tpu.core_type<sc_vector_subcore>, window_params = [{transform_indices = #map}, {transform_indices = #map1}, {transform_indices = #map}]} {
    %mul3A = arith.constant 2 : i32
    %mul3A_0 = arith.muli %arg1, %mul3A : i32
    %add3A = arith.addi %mul3A_0, %arg0 : i32
    %mul3A_1 = arith.constant 6400 : i32
    %mul3A_2 = arith.muli %add3A, %mul3A_1 : i32
    %eq3A = arith.constant 0 : i32
    %eq3A_3 = arith.cmpi eq, %arg1, %eq3A : i32
    %convert_element_type3A = arith.extui %eq3A_3 : i1 to i32
    %cond3A = arith.constant 0 : i32
    %cond3A_4 = arith.cmpi ne, %convert_element_type3A, %cond3A : i32
    scf.if %cond3A_4 {
      "tpu.region"() ({
        %run_scoped3A = tpu.sem_alloc : memref<!tpu.dma_semaphore, #tpu.memory_space<semaphore_mem>>
        tpu.enqueue_dma source(%arg2 : memref<96x64xf32, #tpu.memory_space<hbm>>) target(%arg16 : memref<96x64xf32, #tpu.memory_space<vmem_shared>>) target_semaphore(%run_scoped3A : memref<!tpu.dma_semaphore, #tpu.memory_space<semaphore_mem>>)
        tpu.wait_dma2 semaphore(%run_scoped3A : memref<!tpu.dma_semaphore, #tpu.memory_space<semaphore_mem>>) src(%arg2 : memref<96x64xf32, #tpu.memory_space<hbm>>) dst(%arg16 : memref<96x64xf32, #tpu.memory_space<vmem_shared>>)
        tpu.yield
      }) : () -> ()
    } else {
    }
    "tpu.region"() ({
      %run_scoped3A = tpu.sem_alloc : memref<!tpu.dma_semaphore, #tpu.memory_space<semaphore_mem>>
      %dma_start3A_44 = arith.constant 0 : i32
      %dma_start3A_45 = arith.constant 0 : i32
      %dma_start3A_46 = tpu.memref_slice %arg3[%add3A, %dma_start3A_44, %dma_start3A_45] : memref<32x50x128xi32, #tpu.memory_space<hbm>> -> memref<1x50x128xi32, #tpu.memory_space<hbm>>
      %dma_start3A_47 = tpu.memref_squeeze %dma_start3A_46 : memref<1x50x128xi32, #tpu.memory_space<hbm>> -> memref<50x128xi32, #tpu.memory_space<hbm>>
      %dma_start3A_48 = arith.constant 0 : i32
      %dma_start3A_49 = arith.constant 0 : i32
      %dma_start3A_50 = tpu.memref_slice %arg3[%add3A, %dma_start3A_48, %dma_start3A_49] : memref<32x50x128xi32, #tpu.memory_space<hbm>> -> memref<1x50x128xi32, #tpu.memory_space<hbm>>
      %dma_start3A_51 = tpu.memref_squeeze %dma_start3A_50 : memref<1x50x128xi32, #tpu.memory_space<hbm>> -> memref<50x128xi32, #tpu.memory_space<hbm>>
      tpu.enqueue_dma source(%dma_start3A_51 : memref<50x128xi32, #tpu.memory_space<hbm>>) target(%arg5 : memref<50x128xi32, #tpu.memory_space<vmem>>) target_semaphore(%run_scoped3A : memref<!tpu.dma_semaphore, #tpu.memory_space<semaphore_mem>>)
      %dma_wait3A = arith.constant 0 : i32
      %dma_wait3A_52 = arith.constant 0 : i32
      %dma_wait3A_53 = tpu.memref_slice %arg3[%add3A, %dma_wait3A, %dma_wait3A_52] : memref<32x50x128xi32, #tpu.memory_space<hbm>> -> memref<1x50x128xi32, #tpu.memory_space<hbm>>
      %dma_wait3A_54 = tpu.memref_squeeze %dma_wait3A_53 : memref<1x50x128xi32, #tpu.memory_space<hbm>> -> memref<50x128xi32, #tpu.memory_space<hbm>>
      %dma_wait3A_55 = arith.constant 0 : i32
      %dma_wait3A_56 = arith.constant 0 : i32
      %dma_wait3A_57 = tpu.memref_slice %arg3[%add3A, %dma_wait3A_55, %dma_wait3A_56] : memref<32x50x128xi32, #tpu.memory_space<hbm>> -> memref<1x50x128xi32, #tpu.memory_space<hbm>>
      %dma_wait3A_58 = tpu.memref_squeeze %dma_wait3A_57 : memref<1x50x128xi32, #tpu.memory_space<hbm>> -> memref<50x128xi32, #tpu.memory_space<hbm>>
      tpu.wait_dma2 semaphore(%run_scoped3A : memref<!tpu.dma_semaphore, #tpu.memory_space<semaphore_mem>>) src(%dma_wait3A_58 : memref<50x128xi32, #tpu.memory_space<hbm>>) dst(%arg5 : memref<50x128xi32, #tpu.memory_space<vmem>>)
      tpu.yield
    }) : () -> ()
    %barrier3A = arith.constant 0 : index
    tpu.barrier barrier_id(%barrier3A)
    %dma_start3A = arith.constant 0 : i32
    %dma_start3A_5 = arith.constant 0 : i32
    %dma_start3A_6 = tpu.memref_slice %arg5[%dma_start3A, %dma_start3A_5] : memref<50x128xi32, #tpu.memory_space<vmem>> -> memref<1x128xi32, #tpu.memory_space<vmem>>
    %dma_start3A_7 = tpu.memref_squeeze %dma_start3A_6 : memref<1x128xi32, #tpu.memory_space<vmem>> -> memref<128xi32, #tpu.memory_space<vmem>>
    %dma_start3A_8 = arith.constant 0 : i32
    %dma_start3A_9 = arith.constant 0 : i32
    %dma_start3A_10 = tpu.memref_slice %arg16[%dma_start3A_8, %dma_start3A_9] : memref<96x64xf32, #tpu.memory_space<vmem_shared>> -> memref<96x64xf32, #tpu.memory_space<vmem_shared>>
    tpu.enqueue_indirect_dma source(%dma_start3A_10 : memref<96x64xf32, #tpu.memory_space<vmem_shared>>) target(%arg6 : memref<128x64xf32, #tpu.memory_space<vmem>>) offsets(%dma_start3A_7 : memref<128xi32, #tpu.memory_space<vmem>>) semaphore(%arg11 : memref<!tpu.dma_semaphore, #tpu.memory_space<semaphore_mem>>)
    %dma_start3A_11 = arith.constant 1 : i32
    %dma_start3A_12 = arith.constant 0 : i32
    %dma_start3A_13 = tpu.memref_slice %arg5[%dma_start3A_11, %dma_start3A_12] : memref<50x128xi32, #tpu.memory_space<vmem>> -> memref<1x128xi32, #tpu.memory_space<vmem>>
    %dma_start3A_14 = tpu.memref_squeeze %dma_start3A_13 : memref<1x128xi32, #tpu.memory_space<vmem>> -> memref<128xi32, #tpu.memory_space<vmem>>
    %dma_start3A_15 = arith.constant 0 : i32
    %dma_start3A_16 = arith.constant 0 : i32
    %dma_start3A_17 = tpu.memref_slice %arg16[%dma_start3A_15, %dma_start3A_16] : memref<96x64xf32, #tpu.memory_space<vmem_shared>> -> memref<96x64xf32, #tpu.memory_space<vmem_shared>>
    tpu.enqueue_indirect_dma source(%dma_start3A_17 : memref<96x64xf32, #tpu.memory_space<vmem_shared>>) target(%arg7 : memref<128x64xf32, #tpu.memory_space<vmem>>) offsets(%dma_start3A_14 : memref<128xi32, #tpu.memory_space<vmem>>) semaphore(%arg12 : memref<!tpu.dma_semaphore, #tpu.memory_space<semaphore_mem>>)
    %dma_start3A_18 = arith.constant 2 : i32
    %dma_start3A_19 = arith.constant 0 : i32
    %dma_start3A_20 = tpu.memref_slice %arg5[%dma_start3A_18, %dma_start3A_19] : memref<50x128xi32, #tpu.memory_space<vmem>> -> memref<1x128xi32, #tpu.memory_space<vmem>>
    %dma_start3A_21 = tpu.memref_squeeze %dma_start3A_20 : memref<1x128xi32, #tpu.memory_space<vmem>> -> memref<128xi32, #tpu.memory_space<vmem>>
    %dma_start3A_22 = arith.constant 0 : i32
    %dma_start3A_23 = arith.constant 0 : i32
    %dma_start3A_24 = tpu.memref_slice %arg16[%dma_start3A_22, %dma_start3A_23] : memref<96x64xf32, #tpu.memory_space<vmem_shared>> -> memref<96x64xf32, #tpu.memory_space<vmem_shared>>
    tpu.enqueue_indirect_dma source(%dma_start3A_24 : memref<96x64xf32, #tpu.memory_space<vmem_shared>>) target(%arg8 : memref<128x64xf32, #tpu.memory_space<vmem>>) offsets(%dma_start3A_21 : memref<128xi32, #tpu.memory_space<vmem>>) semaphore(%arg13 : memref<!tpu.dma_semaphore, #tpu.memory_space<semaphore_mem>>)
    %dma_start3A_25 = arith.constant 3 : i32
    %dma_start3A_26 = arith.constant 0 : i32
    %dma_start3A_27 = tpu.memref_slice %arg5[%dma_start3A_25, %dma_start3A_26] : memref<50x128xi32, #tpu.memory_space<vmem>> -> memref<1x128xi32, #tpu.memory_space<vmem>>
    %dma_start3A_28 = tpu.memref_squeeze %dma_start3A_27 : memref<1x128xi32, #tpu.memory_space<vmem>> -> memref<128xi32, #tpu.memory_space<vmem>>
    %dma_start3A_29 = arith.constant 0 : i32
    %dma_start3A_30 = arith.constant 0 : i32
    %dma_start3A_31 = tpu.memref_slice %arg16[%dma_start3A_29, %dma_start3A_30] : memref<96x64xf32, #tpu.memory_space<vmem_shared>> -> memref<96x64xf32, #tpu.memory_space<vmem_shared>>
    tpu.enqueue_indirect_dma source(%dma_start3A_31 : memref<96x64xf32, #tpu.memory_space<vmem_shared>>) target(%arg9 : memref<128x64xf32, #tpu.memory_space<vmem>>) offsets(%dma_start3A_28 : memref<128xi32, #tpu.memory_space<vmem>>) semaphore(%arg14 : memref<!tpu.dma_semaphore, #tpu.memory_space<semaphore_mem>>)
    %dma_start3A_32 = arith.constant 4 : i32
    %dma_start3A_33 = arith.constant 0 : i32
    %dma_start3A_34 = tpu.memref_slice %arg5[%dma_start3A_32, %dma_start3A_33] : memref<50x128xi32, #tpu.memory_space<vmem>> -> memref<1x128xi32, #tpu.memory_space<vmem>>
    %dma_start3A_35 = tpu.memref_squeeze %dma_start3A_34 : memref<1x128xi32, #tpu.memory_space<vmem>> -> memref<128xi32, #tpu.memory_space<vmem>>
    %dma_start3A_36 = arith.constant 0 : i32
    %dma_start3A_37 = arith.constant 0 : i32
    %dma_start3A_38 = tpu.memref_slice %arg16[%dma_start3A_36, %dma_start3A_37] : memref<96x64xf32, #tpu.memory_space<vmem_shared>> -> memref<96x64xf32, #tpu.memory_space<vmem_shared>>
    tpu.enqueue_indirect_dma source(%dma_start3A_38 : memref<96x64xf32, #tpu.memory_space<vmem_shared>>) target(%arg10 : memref<128x64xf32, #tpu.memory_space<vmem>>) offsets(%dma_start3A_35 : memref<128xi32, #tpu.memory_space<vmem>>) semaphore(%arg15 : memref<!tpu.dma_semaphore, #tpu.memory_space<semaphore_mem>>)
    %scan3A = arith.constant 0 : i32
    %scan3A_39 = arith.constant 0 : i32
    %scan3A_40 = arith.constant 10 : i32
    %scan3A_41 = arith.addi %scan3A_39, %scan3A_40 : i32
    %scan3A_42 = arith.constant 1 : i32
    scf.for %scan3A_44 = %scan3A_39 to %scan3A_41 step %scan3A_42  : i32 {
      %mul3A_45 = arith.constant 5 : i32
      %mul3A_46 = arith.muli %scan3A_44, %mul3A_45 : i32
      %add3A_47 = arith.constant 0 : i32
      %add3A_48 = arith.addi %mul3A_46, %add3A_47 : i32
      %dma_wait3A = arith.constant 0 : i32
      %dma_wait3A_49 = tpu.memref_slice %arg5[%add3A_48, %dma_wait3A] : memref<50x128xi32, #tpu.memory_space<vmem>> -> memref<1x128xi32, #tpu.memory_space<vmem>>
      %dma_wait3A_50 = tpu.memref_squeeze %dma_wait3A_49 : memref<1x128xi32, #tpu.memory_space<vmem>> -> memref<128xi32, #tpu.memory_space<vmem>>
      %dma_wait3A_51 = arith.constant 0 : i32
      %dma_wait3A_52 = arith.constant 0 : i32
      %dma_wait3A_53 = tpu.memref_slice %arg16[%dma_wait3A_51, %dma_wait3A_52] : memref<96x64xf32, #tpu.memory_space<vmem_shared>> -> memref<96x64xf32, #tpu.memory_space<vmem_shared>>
      tpu.wait_indirect_dma semaphore(%arg11 : memref<!tpu.dma_semaphore, #tpu.memory_space<semaphore_mem>>) src(%dma_wait3A_53 : memref<96x64xf32, #tpu.memory_space<vmem_shared>>) dst(%arg6 : memref<128x64xf32, #tpu.memory_space<vmem>>)
      %mul3A_54 = arith.constant 128 : i32
      %mul3A_55 = arith.muli %add3A_48, %mul3A_54 : i32
      %add3A_56 = arith.addi %mul3A_2, %mul3A_55 : i32
      "tpu.region"() ({
        %run_scoped3A = tpu.sem_alloc : memref<!tpu.dma_semaphore, #tpu.memory_space<semaphore_mem>>
        %dma_start3A_135 = arith.constant 0 : i32
        %dma_start3A_136 = tpu.memref_slice %arg4[%add3A_56, %dma_start3A_135] : memref<204800x64xf32, #tpu.memory_space<hbm>> -> memref<128x64xf32, #tpu.memory_space<hbm>>
        %dma_start3A_137 = arith.constant 0 : i32
        %dma_start3A_138 = tpu.memref_slice %arg4[%add3A_56, %dma_start3A_137] : memref<204800x64xf32, #tpu.memory_space<hbm>> -> memref<128x64xf32, #tpu.memory_space<hbm>>
        tpu.enqueue_dma source(%arg6 : memref<128x64xf32, #tpu.memory_space<vmem>>) target(%dma_start3A_138 : memref<128x64xf32, #tpu.memory_space<hbm>>) target_semaphore(%run_scoped3A : memref<!tpu.dma_semaphore, #tpu.memory_space<semaphore_mem>>)
        %dma_wait3A_139 = arith.constant 0 : i32
        %dma_wait3A_140 = tpu.memref_slice %arg4[%add3A_56, %dma_wait3A_139] : memref<204800x64xf32, #tpu.memory_space<hbm>> -> memref<128x64xf32, #tpu.memory_space<hbm>>
        %dma_wait3A_141 = arith.constant 0 : i32
        %dma_wait3A_142 = tpu.memref_slice %arg4[%add3A_56, %dma_wait3A_141] : memref<204800x64xf32, #tpu.memory_space<hbm>> -> memref<128x64xf32, #tpu.memory_space<hbm>>
        tpu.wait_dma2 semaphore(%run_scoped3A : memref<!tpu.dma_semaphore, #tpu.memory_space<semaphore_mem>>) src(%arg6 : memref<128x64xf32, #tpu.memory_space<vmem>>) dst(%dma_wait3A_142 : memref<128x64xf32, #tpu.memory_space<hbm>>)
        tpu.yield
      }) : () -> ()
      %add3A_57 = arith.constant 5 : i32
      %add3A_58 = arith.addi %add3A_48, %add3A_57 : i32
      %lt3A = arith.constant 50 : i32
      %lt3A_59 = arith.cmpi slt, %add3A_58, %lt3A : i32
      %convert_element_type3A_60 = arith.extui %lt3A_59 : i1 to i32
      %cond3A_61 = arith.constant 0 : i32
      %cond3A_62 = arith.cmpi ne, %convert_element_type3A_60, %cond3A_61 : i32
      scf.if %cond3A_62 {
        %add3A_135 = arith.constant 5 : i32
        %add3A_136 = arith.addi %add3A_48, %add3A_135 : i32
        %dma_start3A_137 = arith.constant 0 : i32
        %dma_start3A_138 = tpu.memref_slice %arg5[%add3A_136, %dma_start3A_137] : memref<50x128xi32, #tpu.memory_space<vmem>> -> memref<1x128xi32, #tpu.memory_space<vmem>>
        %dma_start3A_139 = tpu.memref_squeeze %dma_start3A_138 : memref<1x128xi32, #tpu.memory_space<vmem>> -> memref<128xi32, #tpu.memory_space<vmem>>
        %dma_start3A_140 = arith.constant 0 : i32
        %dma_start3A_141 = arith.constant 0 : i32
        %dma_start3A_142 = tpu.memref_slice %arg16[%dma_start3A_140, %dma_start3A_141] : memref<96x64xf32, #tpu.memory_space<vmem_shared>> -> memref<96x64xf32, #tpu.memory_space<vmem_shared>>
        tpu.enqueue_indirect_dma source(%dma_start3A_142 : memref<96x64xf32, #tpu.memory_space<vmem_shared>>) target(%arg6 : memref<128x64xf32, #tpu.memory_space<vmem>>) offsets(%dma_start3A_139 : memref<128xi32, #tpu.memory_space<vmem>>) semaphore(%arg11 : memref<!tpu.dma_semaphore, #tpu.memory_space<semaphore_mem>>)
      } else {
      }
      %add3A_63 = arith.constant 1 : i32
      %add3A_64 = arith.addi %mul3A_46, %add3A_63 : i32
      %dma_wait3A_65 = arith.constant 0 : i32
      %dma_wait3A_66 = tpu.memref_slice %arg5[%add3A_64, %dma_wait3A_65] : memref<50x128xi32, #tpu.memory_space<vmem>> -> memref<1x128xi32, #tpu.memory_space<vmem>>
      %dma_wait3A_67 = tpu.memref_squeeze %dma_wait3A_66 : memref<1x128xi32, #tpu.memory_space<vmem>> -> memref<128xi32, #tpu.memory_space<vmem>>
      %dma_wait3A_68 = arith.constant 0 : i32
      %dma_wait3A_69 = arith.constant 0 : i32
      %dma_wait3A_70 = tpu.memref_slice %arg16[%dma_wait3A_68, %dma_wait3A_69] : memref<96x64xf32, #tpu.memory_space<vmem_shared>> -> memref<96x64xf32, #tpu.memory_space<vmem_shared>>
      tpu.wait_indirect_dma semaphore(%arg12 : memref<!tpu.dma_semaphore, #tpu.memory_space<semaphore_mem>>) src(%dma_wait3A_70 : memref<96x64xf32, #tpu.memory_space<vmem_shared>>) dst(%arg7 : memref<128x64xf32, #tpu.memory_space<vmem>>)
      %mul3A_71 = arith.constant 128 : i32
      %mul3A_72 = arith.muli %add3A_64, %mul3A_71 : i32
      %add3A_73 = arith.addi %mul3A_2, %mul3A_72 : i32
      "tpu.region"() ({
        %run_scoped3A = tpu.sem_alloc : memref<!tpu.dma_semaphore, #tpu.memory_space<semaphore_mem>>
        %dma_start3A_135 = arith.constant 0 : i32
        %dma_start3A_136 = tpu.memref_slice %arg4[%add3A_73, %dma_start3A_135] : memref<204800x64xf32, #tpu.memory_space<hbm>> -> memref<128x64xf32, #tpu.memory_space<hbm>>
        %dma_start3A_137 = arith.constant 0 : i32
        %dma_start3A_138 = tpu.memref_slice %arg4[%add3A_73, %dma_start3A_137] : memref<204800x64xf32, #tpu.memory_space<hbm>> -> memref<128x64xf32, #tpu.memory_space<hbm>>
        tpu.enqueue_dma source(%arg7 : memref<128x64xf32, #tpu.memory_space<vmem>>) target(%dma_start3A_138 : memref<128x64xf32, #tpu.memory_space<hbm>>) target_semaphore(%run_scoped3A : memref<!tpu.dma_semaphore, #tpu.memory_space<semaphore_mem>>)
        %dma_wait3A_139 = arith.constant 0 : i32
        %dma_wait3A_140 = tpu.memref_slice %arg4[%add3A_73, %dma_wait3A_139] : memref<204800x64xf32, #tpu.memory_space<hbm>> -> memref<128x64xf32, #tpu.memory_space<hbm>>
        %dma_wait3A_141 = arith.constant 0 : i32
        %dma_wait3A_142 = tpu.memref_slice %arg4[%add3A_73, %dma_wait3A_141] : memref<204800x64xf32, #tpu.memory_space<hbm>> -> memref<128x64xf32, #tpu.memory_space<hbm>>
        tpu.wait_dma2 semaphore(%run_scoped3A : memref<!tpu.dma_semaphore, #tpu.memory_space<semaphore_mem>>) src(%arg7 : memref<128x64xf32, #tpu.memory_space<vmem>>) dst(%dma_wait3A_142 : memref<128x64xf32, #tpu.memory_space<hbm>>)
        tpu.yield
      }) : () -> ()
      %add3A_74 = arith.constant 5 : i32
      %add3A_75 = arith.addi %add3A_64, %add3A_74 : i32
      %lt3A_76 = arith.constant 50 : i32
      %lt3A_77 = arith.cmpi slt, %add3A_75, %lt3A_76 : i32
      %convert_element_type3A_78 = arith.extui %lt3A_77 : i1 to i32
      %cond3A_79 = arith.constant 0 : i32
      %cond3A_80 = arith.cmpi ne, %convert_element_type3A_78, %cond3A_79 : i32
      scf.if %cond3A_80 {
        %add3A_135 = arith.constant 5 : i32
        %add3A_136 = arith.addi %add3A_64, %add3A_135 : i32
        %dma_start3A_137 = arith.constant 0 : i32
        %dma_start3A_138 = tpu.memref_slice %arg5[%add3A_136, %dma_start3A_137] : memref<50x128xi32, #tpu.memory_space<vmem>> -> memref<1x128xi32, #tpu.memory_space<vmem>>
        %dma_start3A_139 = tpu.memref_squeeze %dma_start3A_138 : memref<1x128xi32, #tpu.memory_space<vmem>> -> memref<128xi32, #tpu.memory_space<vmem>>
        %dma_start3A_140 = arith.constant 0 : i32
        %dma_start3A_141 = arith.constant 0 : i32
        %dma_start3A_142 = tpu.memref_slice %arg16[%dma_start3A_140, %dma_start3A_141] : memref<96x64xf32, #tpu.memory_space<vmem_shared>> -> memref<96x64xf32, #tpu.memory_space<vmem_shared>>
        tpu.enqueue_indirect_dma source(%dma_start3A_142 : memref<96x64xf32, #tpu.memory_space<vmem_shared>>) target(%arg7 : memref<128x64xf32, #tpu.memory_space<vmem>>) offsets(%dma_start3A_139 : memref<128xi32, #tpu.memory_space<vmem>>) semaphore(%arg12 : memref<!tpu.dma_semaphore, #tpu.memory_space<semaphore_mem>>)
      } else {
      }
      %add3A_81 = arith.constant 2 : i32
      %add3A_82 = arith.addi %mul3A_46, %add3A_81 : i32
      %dma_wait3A_83 = arith.constant 0 : i32
      %dma_wait3A_84 = tpu.memref_slice %arg5[%add3A_82, %dma_wait3A_83] : memref<50x128xi32, #tpu.memory_space<vmem>> -> memref<1x128xi32, #tpu.memory_space<vmem>>
      %dma_wait3A_85 = tpu.memref_squeeze %dma_wait3A_84 : memref<1x128xi32, #tpu.memory_space<vmem>> -> memref<128xi32, #tpu.memory_space<vmem>>
      %dma_wait3A_86 = arith.constant 0 : i32
      %dma_wait3A_87 = arith.constant 0 : i32
      %dma_wait3A_88 = tpu.memref_slice %arg16[%dma_wait3A_86, %dma_wait3A_87] : memref<96x64xf32, #tpu.memory_space<vmem_shared>> -> memref<96x64xf32, #tpu.memory_space<vmem_shared>>
      tpu.wait_indirect_dma semaphore(%arg13 : memref<!tpu.dma_semaphore, #tpu.memory_space<semaphore_mem>>) src(%dma_wait3A_88 : memref<96x64xf32, #tpu.memory_space<vmem_shared>>) dst(%arg8 : memref<128x64xf32, #tpu.memory_space<vmem>>)
      %mul3A_89 = arith.constant 128 : i32
      %mul3A_90 = arith.muli %add3A_82, %mul3A_89 : i32
      %add3A_91 = arith.addi %mul3A_2, %mul3A_90 : i32
      "tpu.region"() ({
        %run_scoped3A = tpu.sem_alloc : memref<!tpu.dma_semaphore, #tpu.memory_space<semaphore_mem>>
        %dma_start3A_135 = arith.constant 0 : i32
        %dma_start3A_136 = tpu.memref_slice %arg4[%add3A_91, %dma_start3A_135] : memref<204800x64xf32, #tpu.memory_space<hbm>> -> memref<128x64xf32, #tpu.memory_space<hbm>>
        %dma_start3A_137 = arith.constant 0 : i32
        %dma_start3A_138 = tpu.memref_slice %arg4[%add3A_91, %dma_start3A_137] : memref<204800x64xf32, #tpu.memory_space<hbm>> -> memref<128x64xf32, #tpu.memory_space<hbm>>
        tpu.enqueue_dma source(%arg8 : memref<128x64xf32, #tpu.memory_space<vmem>>) target(%dma_start3A_138 : memref<128x64xf32, #tpu.memory_space<hbm>>) target_semaphore(%run_scoped3A : memref<!tpu.dma_semaphore, #tpu.memory_space<semaphore_mem>>)
        %dma_wait3A_139 = arith.constant 0 : i32
        %dma_wait3A_140 = tpu.memref_slice %arg4[%add3A_91, %dma_wait3A_139] : memref<204800x64xf32, #tpu.memory_space<hbm>> -> memref<128x64xf32, #tpu.memory_space<hbm>>
        %dma_wait3A_141 = arith.constant 0 : i32
        %dma_wait3A_142 = tpu.memref_slice %arg4[%add3A_91, %dma_wait3A_141] : memref<204800x64xf32, #tpu.memory_space<hbm>> -> memref<128x64xf32, #tpu.memory_space<hbm>>
        tpu.wait_dma2 semaphore(%run_scoped3A : memref<!tpu.dma_semaphore, #tpu.memory_space<semaphore_mem>>) src(%arg8 : memref<128x64xf32, #tpu.memory_space<vmem>>) dst(%dma_wait3A_142 : memref<128x64xf32, #tpu.memory_space<hbm>>)
        tpu.yield
      }) : () -> ()
      %add3A_92 = arith.constant 5 : i32
      %add3A_93 = arith.addi %add3A_82, %add3A_92 : i32
      %lt3A_94 = arith.constant 50 : i32
      %lt3A_95 = arith.cmpi slt, %add3A_93, %lt3A_94 : i32
      %convert_element_type3A_96 = arith.extui %lt3A_95 : i1 to i32
      %cond3A_97 = arith.constant 0 : i32
      %cond3A_98 = arith.cmpi ne, %convert_element_type3A_96, %cond3A_97 : i32
      scf.if %cond3A_98 {
        %add3A_135 = arith.constant 5 : i32
        %add3A_136 = arith.addi %add3A_82, %add3A_135 : i32
        %dma_start3A_137 = arith.constant 0 : i32
        %dma_start3A_138 = tpu.memref_slice %arg5[%add3A_136, %dma_start3A_137] : memref<50x128xi32, #tpu.memory_space<vmem>> -> memref<1x128xi32, #tpu.memory_space<vmem>>
        %dma_start3A_139 = tpu.memref_squeeze %dma_start3A_138 : memref<1x128xi32, #tpu.memory_space<vmem>> -> memref<128xi32, #tpu.memory_space<vmem>>
        %dma_start3A_140 = arith.constant 0 : i32
        %dma_start3A_141 = arith.constant 0 : i32
        %dma_start3A_142 = tpu.memref_slice %arg16[%dma_start3A_140, %dma_start3A_141] : memref<96x64xf32, #tpu.memory_space<vmem_shared>> -> memref<96x64xf32, #tpu.memory_space<vmem_shared>>
        tpu.enqueue_indirect_dma source(%dma_start3A_142 : memref<96x64xf32, #tpu.memory_space<vmem_shared>>) target(%arg8 : memref<128x64xf32, #tpu.memory_space<vmem>>) offsets(%dma_start3A_139 : memref<128xi32, #tpu.memory_space<vmem>>) semaphore(%arg13 : memref<!tpu.dma_semaphore, #tpu.memory_space<semaphore_mem>>)
      } else {
      }
      %add3A_99 = arith.constant 3 : i32
      %add3A_100 = arith.addi %mul3A_46, %add3A_99 : i32
      %dma_wait3A_101 = arith.constant 0 : i32
      %dma_wait3A_102 = tpu.memref_slice %arg5[%add3A_100, %dma_wait3A_101] : memref<50x128xi32, #tpu.memory_space<vmem>> -> memref<1x128xi32, #tpu.memory_space<vmem>>
      %dma_wait3A_103 = tpu.memref_squeeze %dma_wait3A_102 : memref<1x128xi32, #tpu.memory_space<vmem>> -> memref<128xi32, #tpu.memory_space<vmem>>
      %dma_wait3A_104 = arith.constant 0 : i32
      %dma_wait3A_105 = arith.constant 0 : i32
      %dma_wait3A_106 = tpu.memref_slice %arg16[%dma_wait3A_104, %dma_wait3A_105] : memref<96x64xf32, #tpu.memory_space<vmem_shared>> -> memref<96x64xf32, #tpu.memory_space<vmem_shared>>
      tpu.wait_indirect_dma semaphore(%arg14 : memref<!tpu.dma_semaphore, #tpu.memory_space<semaphore_mem>>) src(%dma_wait3A_106 : memref<96x64xf32, #tpu.memory_space<vmem_shared>>) dst(%arg9 : memref<128x64xf32, #tpu.memory_space<vmem>>)
      %mul3A_107 = arith.constant 128 : i32
      %mul3A_108 = arith.muli %add3A_100, %mul3A_107 : i32
      %add3A_109 = arith.addi %mul3A_2, %mul3A_108 : i32
      "tpu.region"() ({
        %run_scoped3A = tpu.sem_alloc : memref<!tpu.dma_semaphore, #tpu.memory_space<semaphore_mem>>
        %dma_start3A_135 = arith.constant 0 : i32
        %dma_start3A_136 = tpu.memref_slice %arg4[%add3A_109, %dma_start3A_135] : memref<204800x64xf32, #tpu.memory_space<hbm>> -> memref<128x64xf32, #tpu.memory_space<hbm>>
        %dma_start3A_137 = arith.constant 0 : i32
        %dma_start3A_138 = tpu.memref_slice %arg4[%add3A_109, %dma_start3A_137] : memref<204800x64xf32, #tpu.memory_space<hbm>> -> memref<128x64xf32, #tpu.memory_space<hbm>>
        tpu.enqueue_dma source(%arg9 : memref<128x64xf32, #tpu.memory_space<vmem>>) target(%dma_start3A_138 : memref<128x64xf32, #tpu.memory_space<hbm>>) target_semaphore(%run_scoped3A : memref<!tpu.dma_semaphore, #tpu.memory_space<semaphore_mem>>)
        %dma_wait3A_139 = arith.constant 0 : i32
        %dma_wait3A_140 = tpu.memref_slice %arg4[%add3A_109, %dma_wait3A_139] : memref<204800x64xf32, #tpu.memory_space<hbm>> -> memref<128x64xf32, #tpu.memory_space<hbm>>
        %dma_wait3A_141 = arith.constant 0 : i32
        %dma_wait3A_142 = tpu.memref_slice %arg4[%add3A_109, %dma_wait3A_141] : memref<204800x64xf32, #tpu.memory_space<hbm>> -> memref<128x64xf32, #tpu.memory_space<hbm>>
        tpu.wait_dma2 semaphore(%run_scoped3A : memref<!tpu.dma_semaphore, #tpu.memory_space<semaphore_mem>>) src(%arg9 : memref<128x64xf32, #tpu.memory_space<vmem>>) dst(%dma_wait3A_142 : memref<128x64xf32, #tpu.memory_space<hbm>>)
        tpu.yield
      }) : () -> ()
      %add3A_110 = arith.constant 5 : i32
      %add3A_111 = arith.addi %add3A_100, %add3A_110 : i32
      %lt3A_112 = arith.constant 50 : i32
      %lt3A_113 = arith.cmpi slt, %add3A_111, %lt3A_112 : i32
      %convert_element_type3A_114 = arith.extui %lt3A_113 : i1 to i32
      %cond3A_115 = arith.constant 0 : i32
      %cond3A_116 = arith.cmpi ne, %convert_element_type3A_114, %cond3A_115 : i32
      scf.if %cond3A_116 {
        %add3A_135 = arith.constant 5 : i32
        %add3A_136 = arith.addi %add3A_100, %add3A_135 : i32
        %dma_start3A_137 = arith.constant 0 : i32
        %dma_start3A_138 = tpu.memref_slice %arg5[%add3A_136, %dma_start3A_137] : memref<50x128xi32, #tpu.memory_space<vmem>> -> memref<1x128xi32, #tpu.memory_space<vmem>>
        %dma_start3A_139 = tpu.memref_squeeze %dma_start3A_138 : memref<1x128xi32, #tpu.memory_space<vmem>> -> memref<128xi32, #tpu.memory_space<vmem>>
        %dma_start3A_140 = arith.constant 0 : i32
        %dma_start3A_141 = arith.constant 0 : i32
        %dma_start3A_142 = tpu.memref_slice %arg16[%dma_start3A_140, %dma_start3A_141] : memref<96x64xf32, #tpu.memory_space<vmem_shared>> -> memref<96x64xf32, #tpu.memory_space<vmem_shared>>
        tpu.enqueue_indirect_dma source(%dma_start3A_142 : memref<96x64xf32, #tpu.memory_space<vmem_shared>>) target(%arg9 : memref<128x64xf32, #tpu.memory_space<vmem>>) offsets(%dma_start3A_139 : memref<128xi32, #tpu.memory_space<vmem>>) semaphore(%arg14 : memref<!tpu.dma_semaphore, #tpu.memory_space<semaphore_mem>>)
      } else {
      }
      %add3A_117 = arith.constant 4 : i32
      %add3A_118 = arith.addi %mul3A_46, %add3A_117 : i32
      %dma_wait3A_119 = arith.constant 0 : i32
      %dma_wait3A_120 = tpu.memref_slice %arg5[%add3A_118, %dma_wait3A_119] : memref<50x128xi32, #tpu.memory_space<vmem>> -> memref<1x128xi32, #tpu.memory_space<vmem>>
      %dma_wait3A_121 = tpu.memref_squeeze %dma_wait3A_120 : memref<1x128xi32, #tpu.memory_space<vmem>> -> memref<128xi32, #tpu.memory_space<vmem>>
      %dma_wait3A_122 = arith.constant 0 : i32
      %dma_wait3A_123 = arith.constant 0 : i32
      %dma_wait3A_124 = tpu.memref_slice %arg16[%dma_wait3A_122, %dma_wait3A_123] : memref<96x64xf32, #tpu.memory_space<vmem_shared>> -> memref<96x64xf32, #tpu.memory_space<vmem_shared>>
      tpu.wait_indirect_dma semaphore(%arg15 : memref<!tpu.dma_semaphore, #tpu.memory_space<semaphore_mem>>) src(%dma_wait3A_124 : memref<96x64xf32, #tpu.memory_space<vmem_shared>>) dst(%arg10 : memref<128x64xf32, #tpu.memory_space<vmem>>)
      %mul3A_125 = arith.constant 128 : i32
      %mul3A_126 = arith.muli %add3A_118, %mul3A_125 : i32
      %add3A_127 = arith.addi %mul3A_2, %mul3A_126 : i32
      "tpu.region"() ({
        %run_scoped3A = tpu.sem_alloc : memref<!tpu.dma_semaphore, #tpu.memory_space<semaphore_mem>>
        %dma_start3A_135 = arith.constant 0 : i32
        %dma_start3A_136 = tpu.memref_slice %arg4[%add3A_127, %dma_start3A_135] : memref<204800x64xf32, #tpu.memory_space<hbm>> -> memref<128x64xf32, #tpu.memory_space<hbm>>
        %dma_start3A_137 = arith.constant 0 : i32
        %dma_start3A_138 = tpu.memref_slice %arg4[%add3A_127, %dma_start3A_137] : memref<204800x64xf32, #tpu.memory_space<hbm>> -> memref<128x64xf32, #tpu.memory_space<hbm>>
        tpu.enqueue_dma source(%arg10 : memref<128x64xf32, #tpu.memory_space<vmem>>) target(%dma_start3A_138 : memref<128x64xf32, #tpu.memory_space<hbm>>) target_semaphore(%run_scoped3A : memref<!tpu.dma_semaphore, #tpu.memory_space<semaphore_mem>>)
        %dma_wait3A_139 = arith.constant 0 : i32
        %dma_wait3A_140 = tpu.memref_slice %arg4[%add3A_127, %dma_wait3A_139] : memref<204800x64xf32, #tpu.memory_space<hbm>> -> memref<128x64xf32, #tpu.memory_space<hbm>>
        %dma_wait3A_141 = arith.constant 0 : i32
        %dma_wait3A_142 = tpu.memref_slice %arg4[%add3A_127, %dma_wait3A_141] : memref<204800x64xf32, #tpu.memory_space<hbm>> -> memref<128x64xf32, #tpu.memory_space<hbm>>
        tpu.wait_dma2 semaphore(%run_scoped3A : memref<!tpu.dma_semaphore, #tpu.memory_space<semaphore_mem>>) src(%arg10 : memref<128x64xf32, #tpu.memory_space<vmem>>) dst(%dma_wait3A_142 : memref<128x64xf32, #tpu.memory_space<hbm>>)
        tpu.yield
      }) : () -> ()
      %add3A_128 = arith.constant 5 : i32
      %add3A_129 = arith.addi %add3A_118, %add3A_128 : i32
      %lt3A_130 = arith.constant 50 : i32
      %lt3A_131 = arith.cmpi slt, %add3A_129, %lt3A_130 : i32
      %convert_element_type3A_132 = arith.extui %lt3A_131 : i1 to i32
      %cond3A_133 = arith.constant 0 : i32
      %cond3A_134 = arith.cmpi ne, %convert_element_type3A_132, %cond3A_133 : i32
      scf.if %cond3A_134 {
        %add3A_135 = arith.constant 5 : i32
        %add3A_136 = arith.addi %add3A_118, %add3A_135 : i32
        %dma_start3A_137 = arith.constant 0 : i32
        %dma_start3A_138 = tpu.memref_slice %arg5[%add3A_136, %dma_start3A_137] : memref<50x128xi32, #tpu.memory_space<vmem>> -> memref<1x128xi32, #tpu.memory_space<vmem>>
        %dma_start3A_139 = tpu.memref_squeeze %dma_start3A_138 : memref<1x128xi32, #tpu.memory_space<vmem>> -> memref<128xi32, #tpu.memory_space<vmem>>
        %dma_start3A_140 = arith.constant 0 : i32
        %dma_start3A_141 = arith.constant 0 : i32
        %dma_start3A_142 = tpu.memref_slice %arg16[%dma_start3A_140, %dma_start3A_141] : memref<96x64xf32, #tpu.memory_space<vmem_shared>> -> memref<96x64xf32, #tpu.memory_space<vmem_shared>>
        tpu.enqueue_indirect_dma source(%dma_start3A_142 : memref<96x64xf32, #tpu.memory_space<vmem_shared>>) target(%arg10 : memref<128x64xf32, #tpu.memory_space<vmem>>) offsets(%dma_start3A_139 : memref<128xi32, #tpu.memory_space<vmem>>) semaphore(%arg15 : memref<!tpu.dma_semaphore, #tpu.memory_space<semaphore_mem>>)
      } else {
      }
    }
    %scan3A_43 = arith.constant 10 : i32
    return
  }
}

module attributes {stable_mosaic.version = 14 : i64} {
  func.func @_table_body(%arg0: memref<4x96x64xf32, #tpu.memory_space<vmem>>, %arg1: memref<4x96x64xf32, #tpu.memory_space<vmem>>, %arg2: memref<64x64xf32, #tpu.memory_space<vmem>>, %arg3: memref<1x64xf32, #tpu.memory_space<vmem>>, %arg4: memref<1x64xf32, #tpu.memory_space<vmem>>, %arg5: memref<1x64xf32, #tpu.memory_space<vmem>>, %arg6: memref<96x64xf32, #tpu.memory_space<vmem>>) attributes {dimension_semantics = [], scalar_prefetch = 0 : i64, scratch_operands = 0 : i64, tpu.core_type = #tpu.core_type<tc>} {
    %broadcast_in_dim3A = arith.constant 0.000000e+00 : f32
    %broadcast_in_dim3A_0 = vector.broadcast %broadcast_in_dim3A : f32 to vector<96x64xf32>
    %get3A = arith.constant 0 : index
    %get3A_1 = arith.constant 0 : index
    %get3A_2 = arith.constant 0 : index
    %get3A_3 = vector.load %arg0[%get3A, %get3A_1, %get3A_2] : memref<4x96x64xf32, #tpu.memory_space<vmem>>, vector<1x96x64xf32>
    %get3A_4 = vector.shape_cast %get3A_3 : vector<1x96x64xf32> to vector<96x64xf32>
    %get3A_5 = arith.constant 0 : index
    %get3A_6 = arith.constant 0 : index
    %get3A_7 = arith.constant 0 : index
    %get3A_8 = vector.load %arg1[%get3A_5, %get3A_6, %get3A_7] : memref<4x96x64xf32, #tpu.memory_space<vmem>>, vector<1x96x64xf32>
    %get3A_9 = vector.shape_cast %get3A_8 : vector<1x96x64xf32> to vector<96x64xf32>
    %mul3A = arith.mulf %get3A_4, %get3A_4 : vector<96x64xf32>
    %add3A = arith.addf %broadcast_in_dim3A_0, %mul3A : vector<96x64xf32>
    %mul3A_10 = arith.mulf %get3A_9, %get3A_9 : vector<96x64xf32>
    %add3A_11 = arith.addf %add3A, %mul3A_10 : vector<96x64xf32>
    %get3A_12 = arith.constant 1 : index
    %get3A_13 = arith.constant 0 : index
    %get3A_14 = arith.constant 0 : index
    %get3A_15 = vector.load %arg0[%get3A_12, %get3A_13, %get3A_14] : memref<4x96x64xf32, #tpu.memory_space<vmem>>, vector<1x96x64xf32>
    %get3A_16 = vector.shape_cast %get3A_15 : vector<1x96x64xf32> to vector<96x64xf32>
    %get3A_17 = arith.constant 1 : index
    %get3A_18 = arith.constant 0 : index
    %get3A_19 = arith.constant 0 : index
    %get3A_20 = vector.load %arg1[%get3A_17, %get3A_18, %get3A_19] : memref<4x96x64xf32, #tpu.memory_space<vmem>>, vector<1x96x64xf32>
    %get3A_21 = vector.shape_cast %get3A_20 : vector<1x96x64xf32> to vector<96x64xf32>
    %mul3A_22 = arith.mulf %get3A_16, %get3A_16 : vector<96x64xf32>
    %add3A_23 = arith.addf %add3A_11, %mul3A_22 : vector<96x64xf32>
    %mul3A_24 = arith.mulf %get3A_21, %get3A_21 : vector<96x64xf32>
    %add3A_25 = arith.addf %add3A_23, %mul3A_24 : vector<96x64xf32>
    %get3A_26 = arith.constant 2 : index
    %get3A_27 = arith.constant 0 : index
    %get3A_28 = arith.constant 0 : index
    %get3A_29 = vector.load %arg0[%get3A_26, %get3A_27, %get3A_28] : memref<4x96x64xf32, #tpu.memory_space<vmem>>, vector<1x96x64xf32>
    %get3A_30 = vector.shape_cast %get3A_29 : vector<1x96x64xf32> to vector<96x64xf32>
    %get3A_31 = arith.constant 2 : index
    %get3A_32 = arith.constant 0 : index
    %get3A_33 = arith.constant 0 : index
    %get3A_34 = vector.load %arg1[%get3A_31, %get3A_32, %get3A_33] : memref<4x96x64xf32, #tpu.memory_space<vmem>>, vector<1x96x64xf32>
    %get3A_35 = vector.shape_cast %get3A_34 : vector<1x96x64xf32> to vector<96x64xf32>
    %mul3A_36 = arith.mulf %get3A_30, %get3A_30 : vector<96x64xf32>
    %add3A_37 = arith.addf %add3A_25, %mul3A_36 : vector<96x64xf32>
    %mul3A_38 = arith.mulf %get3A_35, %get3A_35 : vector<96x64xf32>
    %add3A_39 = arith.addf %add3A_37, %mul3A_38 : vector<96x64xf32>
    %get3A_40 = arith.constant 3 : index
    %get3A_41 = arith.constant 0 : index
    %get3A_42 = arith.constant 0 : index
    %get3A_43 = vector.load %arg0[%get3A_40, %get3A_41, %get3A_42] : memref<4x96x64xf32, #tpu.memory_space<vmem>>, vector<1x96x64xf32>
    %get3A_44 = vector.shape_cast %get3A_43 : vector<1x96x64xf32> to vector<96x64xf32>
    %get3A_45 = arith.constant 3 : index
    %get3A_46 = arith.constant 0 : index
    %get3A_47 = arith.constant 0 : index
    %get3A_48 = vector.load %arg1[%get3A_45, %get3A_46, %get3A_47] : memref<4x96x64xf32, #tpu.memory_space<vmem>>, vector<1x96x64xf32>
    %get3A_49 = vector.shape_cast %get3A_48 : vector<1x96x64xf32> to vector<96x64xf32>
    %mul3A_50 = arith.mulf %get3A_44, %get3A_44 : vector<96x64xf32>
    %add3A_51 = arith.addf %add3A_39, %mul3A_50 : vector<96x64xf32>
    %mul3A_52 = arith.mulf %get3A_49, %get3A_49 : vector<96x64xf32>
    %add3A_53 = arith.addf %add3A_51, %mul3A_52 : vector<96x64xf32>
    %reduce_sum3A = arith.constant dense<0.000000e+00> : vector<96xf32>
    %reduce_sum3A_54 = vector.multi_reduction <add>, %add3A_53, %reduce_sum3A [1] : vector<96x64xf32> to vector<96xf32>
    %broadcast_in_dim3A_55 = vector.shape_cast %reduce_sum3A_54 : vector<96xf32> to vector<96x1xf32>
    %sqrt3A = math.sqrt %broadcast_in_dim3A_55 : vector<96x1xf32>
    %add3A_56 = arith.constant 9.99999993E-9 : f32
    %add3A_57 = vector.broadcast %add3A_56 : f32 to vector<96x1xf32>
    %add3A_58 = arith.addf %sqrt3A, %add3A_57 : vector<96x1xf32>
    %integer_pow3A = arith.mulf %add3A_58, %add3A_58 : vector<96x1xf32>
    %div3A = vector.broadcast %integer_pow3A : vector<96x1xf32> to vector<96x64xf32>
    %div3A_59 = arith.divf %add3A_53, %div3A : vector<96x64xf32>
    %add3A_60 = arith.constant 9.99999996E-13 : f32
    %add3A_61 = vector.broadcast %add3A_60 : f32 to vector<96x64xf32>
    %add3A_62 = arith.addf %div3A_59, %add3A_61 : vector<96x64xf32>
    %sqrt3A_63 = math.sqrt %add3A_62 : vector<96x64xf32>
    %get3A_64 = arith.constant 0 : index
    %get3A_65 = arith.constant 0 : index
    %get3A_66 = vector.load %arg2[%get3A_64, %get3A_65] : memref<64x64xf32, #tpu.memory_space<vmem>>, vector<64x64xf32>
    %dot_general3A = arith.constant dense<0.000000e+00> : vector<96x64xf32>
    %dot_general3A_67 = tpu.matmul %sqrt3A_63, %get3A_66, %dot_general3A {dimension_numbers = #tpu.dot_dimension_numbers<[1], [0], [0], [1], [0, 0, 1, 1], [], []>, transpose_lhs_hint = false} : vector<96x64xf32>, vector<64x64xf32>, vector<96x64xf32> -> vector<96x64xf32>
    %get3A_68 = arith.constant 0 : index
    %get3A_69 = arith.constant 0 : index
    %get3A_70 = vector.load %arg3[%get3A_68, %get3A_69] : memref<1x64xf32, #tpu.memory_space<vmem>>, vector<1x64xf32>
    %add3A_71 = vector.broadcast %get3A_70 : vector<1x64xf32> to vector<96x64xf32>
    %add3A_72 = arith.addf %dot_general3A_67, %add3A_71 : vector<96x64xf32>
    %reduce_sum3A_73 = arith.constant dense<0.000000e+00> : vector<96xf32>
    %reduce_sum3A_74 = vector.multi_reduction <add>, %add3A_72, %reduce_sum3A_73 [1] : vector<96x64xf32> to vector<96xf32>
    %broadcast_in_dim3A_75 = vector.shape_cast %reduce_sum3A_74 : vector<96xf32> to vector<96x1xf32>
    %div3A_76 = arith.constant 6.400000e+01 : f32
    %div3A_77 = vector.broadcast %div3A_76 : f32 to vector<96x1xf32>
    %div3A_78 = arith.divf %broadcast_in_dim3A_75, %div3A_77 : vector<96x1xf32>
    %sub3A = vector.broadcast %div3A_78 : vector<96x1xf32> to vector<96x64xf32>
    %sub3A_79 = arith.subf %add3A_72, %sub3A : vector<96x64xf32>
    %mul3A_80 = arith.mulf %sub3A_79, %sub3A_79 : vector<96x64xf32>
    %reduce_sum3A_81 = arith.constant dense<0.000000e+00> : vector<96xf32>
    %reduce_sum3A_82 = vector.multi_reduction <add>, %mul3A_80, %reduce_sum3A_81 [1] : vector<96x64xf32> to vector<96xf32>
    %broadcast_in_dim3A_83 = vector.shape_cast %reduce_sum3A_82 : vector<96xf32> to vector<96x1xf32>
    %div3A_84 = arith.constant 6.400000e+01 : f32
    %div3A_85 = vector.broadcast %div3A_84 : f32 to vector<96x1xf32>
    %div3A_86 = arith.divf %broadcast_in_dim3A_83, %div3A_85 : vector<96x1xf32>
    %add3A_87 = arith.constant 9.99999974E-6 : f32
    %add3A_88 = vector.broadcast %add3A_87 : f32 to vector<96x1xf32>
    %add3A_89 = arith.addf %div3A_86, %add3A_88 : vector<96x1xf32>
    %rsqrt3A = math.rsqrt %add3A_89 : vector<96x1xf32>
    %mul3A_90 = vector.broadcast %rsqrt3A : vector<96x1xf32> to vector<96x64xf32>
    %mul3A_91 = arith.mulf %sub3A_79, %mul3A_90 : vector<96x64xf32>
    %get3A_92 = arith.constant 0 : index
    %get3A_93 = arith.constant 0 : index
    %get3A_94 = vector.load %arg4[%get3A_92, %get3A_93] : memref<1x64xf32, #tpu.memory_space<vmem>>, vector<1x64xf32>
    %mul3A_95 = vector.broadcast %get3A_94 : vector<1x64xf32> to vector<96x64xf32>
    %mul3A_96 = arith.mulf %mul3A_91, %mul3A_95 : vector<96x64xf32>
    %get3A_97 = arith.constant 0 : index
    %get3A_98 = arith.constant 0 : index
    %get3A_99 = vector.load %arg5[%get3A_97, %get3A_98] : memref<1x64xf32, #tpu.memory_space<vmem>>, vector<1x64xf32>
    %add3A_100 = vector.broadcast %get3A_99 : vector<1x64xf32> to vector<96x64xf32>
    %add3A_101 = arith.addf %mul3A_96, %add3A_100 : vector<96x64xf32>
    %swap3A = arith.constant 0 : index
    %swap3A_102 = arith.constant 0 : index
    %swap3A_103 = vector.load %arg6[%swap3A, %swap3A_102] : memref<96x64xf32, #tpu.memory_space<vmem>>, vector<96x64xf32>
    tpu.vector_store %arg6[%swap3A, %swap3A_102], %add3A_101 {strides = array<i32>} : memref<96x64xf32, #tpu.memory_space<vmem>>, vector<96x64xf32>,
    return
  }
}

</mosaic_0001>

<sc_bundles>
// kernel: kernel.4.cloned.1.call-start
scs
__scs_entry_jumppad:
0x0: {  	(pc) =	sbr.rel $0x88, $3  }
0x1: {  	(tag) =	ssettag $0x0;
	lr =	simm.s32 $0x1  }
0x2: {  	[smem:$0x3F9A] =	sst lr;
	_ =	strace $0xD0000000  }
0x3: {  	_ = 	snop  }
0x4: {  	_ = 	snop  }
0x5: {  	_ = 	snop  }
0x6: {  	_ = 	snop  }
0x7: {  	_ = 	snop  }
__scs_overlays_trampoline_lowered:
0x8: {  	[smem:$0x3FA9] =	sst s0  }
0x9: {  	[smem:$0x3FAA] =	sst s1  }
0xa: {  	[smem:$0x3FAB] =	sst s2  }
0xb: {  	[smem:$0x3FAC] =	sst s3  }
0xc: {  	[smem:$0x3FAD] =	sst s4  }
0xd: {  	[smem:$0x3FAE] =	sst s5  }
0xe: {  	[smem:$0x3FAF] =	sst s6  }
0xf: {  	[smem:$0x3FB0] =	sst s7  }
0x10: {  	[smem:$0x3FB1] =	sst s8  }
0x11: {  	[smem:$0x3FB2] =	sst s9;
	s0 =	simm.s32 @!p0 $0x0  }
0x12: {  	s1 =	sld [smem:$0x3F98];
	s0 =	simm.s32 @p0 $0x1  }
0x13: {  	[smem:$0x3FB3] =	sst s0;
	s0 =	simm.s32 @!p1 $0x0  }
0x14: {  	s2 =	sld [smem:$0x3F97];
	s0 =	simm.s32 @p1 $0x1  }
0x15: {  	[smem:$0x3FB4] =	sst s0;
	s0 =	simm.s32 @!p2 $0x0  }
0x16: {  	s3 =	sld [smem:$0x3FDB];
	s0 =	simm.s32 @p2 $0x1  }
0x17: {  	s4 =	simm.s32 $0x1BF5;
	[smem:$0x3FB6] =	sst s0  }
0x18: {  	s0 =	sld [smem:$0x3F99];
	_ =	swait.ge [sflag:s4], $0x0  }
0x19: {  	s7 =	sld [smem:$0x3F9A]  }
0x1a: {  	s8 =	sadd.s32 $0xFFFFE003, lr  }
0x1b: {  	s9 =	sadd.s32 $0xFFFFFEF7, lr;
	s5 =	simm.s32 $0xFFFFFFFF;
	p2 =	slt.u32 s8, $0xFFFFF086  }
0x1c: {  	p1 =	slt.u32 s9, $0xF7A;
	s5 =	simm.s32 @!p2 $0x0  }
0x1d: {  	s5 =	simm.s32 @p1 $0x1;
	p0 =	seq.s32 s7, s2  }
0x1e: {  	s7 =	smul.u32 @!p0 $0xF7A, s2;
	p2 =	seq.s32 @!p0 s5, $0x0  }
0x1f: {  	s9 =	smul.u32 $0xF7A, s1;
	s8 =	simm.s32 @!p0 $0x1BF5;
	p2 =	por !p2, p0  }
0x20: {  	[sflag:s8] =	ssyncset.s32 @!p0 $0xFFFFF086;
	s6 =	sadd.s32 @!p0 s3, s7;
	s7 =	simm.s32 @!p0 $0x108  }
0x21: {  	s3 =	sadd.s32 s3, s9;
	s6 =	sadd.s32 @!p0 $0x88, s6;
	s7 =	simm.s32 @p2 $0x1082  }
0x22: {  	[simem:s7], [sflag:s8] =	dma.local @!p0 [hbm:s6], $0xF7A  }
0x23: {  	s9 =	sor.u32 $0xD0000000, s2;
	s6 =	simm.s32 $0x108;
	_ =	swait.ge @!p0 [sflag:s8], $0x0  }
0x24: {  	s3 =	sadd.s32 $0x88, s3;
	s6 =	simm.s32 @!p1 $0x1082;
	[sflag:s4] =	ssyncset.s32 $0xFFFFF086  }
0x25: {  	[simem:s6], [sflag:s4] =	dma.local [hbm:s3], $0xF7A  }
0x26: {  	[smem:$0x3F9A] =	sst s1;
	(tag) =	ssettag s2;
	_ =	strace s9  }
0x27: {  	s1 =	sld [smem:$0x3FAA]  }
0x28: {  	s2 =	sld [smem:$0x3FAB]  }
0x29: {  	s4 =	sld [smem:$0x3FAD]  }
0x2a: {  	p0 =	seq.s32 s5, $0x0;
	s5 =	sld [smem:$0x3FAE]  }
0x2b: {  	s6 =	sld [smem:$0x3FAF]  }
0x2c: {  	s7 =	sld [smem:$0x3FB0]  }
0x2d: {  	s3 =	simm.s32 $0x108;
	s8 =	sld [smem:$0x3FB1]  }
0x2e: {  	s3 =	simm.s32 @!p0 $0x1082;
	s9 =	sld [smem:$0x3FB2]  }
0x2f: {  	lr =	sadd.s32 s0, s3;
	s0 =	sld [smem:$0x3FA9]  }
0x30: {  	s3 =	sld [smem:$0x3FAC]  }
0x31: {  	[smem:$0x3FB5] =	sst s10  }
0x32: {  	s10 =	sld [smem:$0x3FB3];
	_ =	sdelay $0x3  }
0x33: {  	p0 =	seq.s32 s10, $0x1;
	s10 =	sld [smem:$0x3FB5];
	_ =	sdelay $0x3  }
0x34: {  	[smem:$0x3FB5] =	sst s10  }
0x35: {  	s10 =	sld [smem:$0x3FB4];
	_ =	sdelay $0x3  }
0x36: {  	p1 =	seq.s32 s10, $0x1;
	s10 =	sld [smem:$0x3FB5];
	_ =	sdelay $0x3  }
0x37: {  	[smem:$0x3FB5] =	sst s10  }
0x38: {  	s10 =	sld [smem:$0x3FB6]  }
0x39: {  	_ = 	snop;
	(pc) =	sbr.ind lr, $3  }
0x3a: {  	_ = 	snop  }
0x3b: {  	_ = 	snop  }
0x3c: {  	p2 =	seq.s32 s10, $0x1;
	s10 =	sld [smem:$0x3FB5]  }
0x3d: {  	_ =	shalt  }
0x3e: {  	_ =	shalt  }
0x3f: {  	_ =	shalt  }
0x40: {  	_ =	shalt  }
0x41: {  	_ =	shalt  }
0x42: {  	_ =	shalt  }
0x43: {  	_ =	shalt  }
0x44: {  	_ =	shalt  }
0x45: {  	_ =	shalt  }
0x46: {  	_ =	shalt  }
0x47: {  	_ =	shalt  }
0x48: {  	_ =	shalt  }
0x49: {  	_ =	shalt  }
0x4a: {  	_ =	shalt  }
0x4b: {  	_ =	shalt  }
0x4c: {  	_ =	shalt  }
0x4d: {  	_ =	shalt  }
0x4e: {  	_ =	shalt  }
0x4f: {  	_ =	shalt  }
0x50: {  	_ =	shalt  }
0x51: {  	_ =	shalt  }
0x52: {  	_ =	shalt  }
0x53: {  	_ =	shalt  }
0x54: {  	_ =	shalt  }
0x55: {  	_ =	shalt  }
0x56: {  	_ =	shalt  }
0x57: {  	_ =	shalt  }
0x58: {  	_ =	shalt  }
0x59: {  	_ =	shalt  }
0x5a: {  	_ =	shalt  }
0x5b: {  	_ =	shalt  }
0x5c: {  	_ =	shalt  }
0x5d: {  	_ =	shalt  }
0x5e: {  	_ =	shalt  }
0x5f: {  	_ =	shalt  }
0x60: {  	_ =	shalt  }
0x61: {  	_ =	shalt  }
0x62: {  	_ =	shalt  }
0x63: {  	_ =	shalt  }
0x64: {  	_ =	shalt  }
0x65: {  	_ =	shalt  }
0x66: {  	_ =	shalt  }
0x67: {  	_ =	shalt  }
0x68: {  	_ =	shalt  }
0x69: {  	_ =	shalt  }
0x6a: {  	_ =	shalt  }
0x6b: {  	_ =	shalt  }
0x6c: {  	_ =	shalt  }
0x6d: {  	_ =	shalt  }
0x6e: {  	_ =	shalt  }
0x6f: {  	_ =	shalt  }
0x70: {  	_ =	shalt  }
0x71: {  	_ =	shalt  }
0x72: {  	_ =	shalt  }
0x73: {  	_ =	shalt  }
0x74: {  	_ =	shalt  }
0x75: {  	_ =	shalt  }
0x76: {  	_ =	shalt  }
0x77: {  	_ =	shalt  }
0x78: {  	_ =	shalt  }
0x79: {  	_ =	shalt  }
0x7a: {  	_ =	shalt  }
0x7b: {  	_ =	shalt  }
0x7c: {  	_ =	shalt  }
0x7d: {  	_ =	shalt  }
0x7e: {  	_ =	shalt  }
0x7f: {  	_ =	shalt  }
0x80: {  	_ =	shalt  }
0x81: {  	_ =	shalt  }
0x82: {  	_ =	shalt  }
0x83: {  	_ =	shalt  }
0x84: {  	_ =	shalt  }
0x85: {  	_ =	shalt  }
0x86: {  	_ =	shalt  }
0x87: {  	_ =	shalt  }
.Lfunc_end0:
.L_simem_size_0:
called_computation.1_lowered:
.L_overlay_start_0:
0x88: {  	s2 =	sld [smem:$0x3FD9]  }
0x89: {  	s3 =	sld [smem:$0x3FFE];
	_ =	sdelay $0x1  }
0x8a: {  	s1 =	srdreg.scid  }
0x8b: {  	s0 =	sand.u32 $0x1, s1  }
0x8c: {  	s17 =	sshll.u32 s0, $0xA;
	s2 =	sadd.s32 s3, s2  }
0x8d: {  	s2 =	sadd.s32 s2, s17  }
0x8e: {  	[smem:$0x3FC1] =	sst s2  }
0x8f: {  	_ = 	snop  }
0x90: {  	s2 =	sld [smem:$0x3FD0];
	(tm) =	ssettm $0x1  }
0x91: {  	s18 =	sld [smem:$0x3FFB];
	_ =	sdelay $0x3  }
0x92: {  	_ =	strace s18  }
0x93: {  	s3 =	sld [smem:$0x3FFC];
	_ =	sdelay $0x3  }
0x94: {  	_ =	strace s3  }
0x95: {  	s3 =	sld [smem:$0x3FFD];
	_ =	sdelay $0x3  }
0x96: {  	_ =	strace s3  }
0x97: {  	_ =	strace $0x8FFFFFFF  }
0x98: {  	s19 =	sld [smem:$0x3FDB];
	_ =	sdelay $0x1  }
0x99: {  	s4 =	simm.s32 $_scs_section_size  }
0x9a: {  	s5 =	simm.s32 $_size__tile_overlayer_lowered;
	s6 =	simm.s32 $_tile_overlayer_lowered  }
0x9b: {  	s22 =	simm.s32 $0x1BFF;
	s21 =	sshll.u32 s6, $0x1;
	s3 =	sadd.s32 s4, s19  }
0x9c: {  	s7 =	simm.s32 $0x0;
	s20 =	sshll.u32 s5, $0x1;
	s5 =	sadd.s32 s21, s3  }
0x9d: {  	[timem:s7], [sflag:s22] =	dma.local [hbm:s5], s20  }
0x9e: {  	_ =	swait.ge [sflag:s22], s20  }
0x9f: {  	s4 =	ssub.s32 $0x0, s20;
	[sflag:s22] =	ssyncset.done $0x0  }
0xa0: {  	[sflag:s22] =	ssyncadd.s32 s4;
	_ =	sdelay $0x1  }
0xa1: {  	s23 =	simm.s32 $0x1B8B  }
0xa2: {  	_ =	swait.ge [sflag:s23], $0x1  }
0xa3: {  	[sflag:s23] =	ssyncset.done $0x0  }
0xa4: {  	s25 =	simm.s32 $0x1B8E;
	s24 =	sld [smem:$0x3FFE];
	[sflag:s23] =	ssyncadd.s32 $0xFFFFFFFF  }
0xa5: {  	s26 =	simm.s32 $execute0_lowered;
	[smem:$0x3FD2] =	sst s25  }
0xa6: {  	s5 =	sshll.u32 s26, $0x1;
	_ =	strace $0x80000046;
	[dreg:$0x1] =	wrdreg $0xFFFFFFFF  }
0xa7: {  	s28 =	simm.s32 $_size_execute0_lowered;
	s3 =	sadd.s32 s3, s5;
	[dreg:$0x0] =	wrdreg $0x0  }
0xa8: {  	s5 =	sshll.u32 s28, $0x1;
	[dreg:$0x2] =	wrdreg s3  }
0xa9: {  	[dreg:$0x3] =	wrdreg s5  }
0xaa: {  	[dreg:$0x4] =	wrdreg $0xC0  }
0xab: {  	_ =	task [dreg:s7], $0x5FFFF  }
0xac: {  	[dreg:$0x1] =	wrdreg $0xFFFFFFFF  }
0xad: {  	[dreg:$0x0] =	wrdreg $0x60  }
0xae: {  	[dreg:$0x2] =	wrdreg s24  }
0xaf: {  	[dreg:$0x3] =	wrdreg s2  }
0xb0: {  	[dreg:$0x4] =	wrdreg $0xB9000  }
0xb1: {  	[dreg:$0x5] =	wrdreg $0x9  }
0xb2: {  	_ =	task.clear_ibuf [dreg:s7], $0x6FFFF;
	_ =	strace $0x90000046  }
0xb3: {  	s29 =	simm.s32 $0x9;
	_ =	strace $0x80000048  }
0xb4: {  	_ =	swait.ge [sflag:s29], $0x1  }
0xb5: {  	[sflag:s29] =	ssyncadd.s32 $0xFFFFFFFF  }
0xb6: {  	_ =	strace $0x90000048  }
0xb7: {  	_ =	sfence  }
0xb8: {  	s30 =	sld [smem:$0x0];
	_ =	sdelay $0x2  }
0xb9: {  	s31 =	sshll.u32 s1, $0xD;
	s1 =	sshrl.u32 s1, $0x2  }
0xba: {  	s3 =	sand.u32 $0x4000, s31;
	s1 =	sadd.s32 s1, s30  }
0xbb: {  	s0 =	sor.u32 s3, s0;
	s1 =	sshll.u32 s1, $0x11  }
0xbc: {  	s0 =	sor.u32 s1, s0  }
0xbd: {  	s0 =	sadd.s32 $0x8F2B, s0  }
0xbe: {  	[sflag:s0] =	ssyncadd.remote.s32 $0x1  }
0xbf: {  	_ =	sfence.sel $0xFFFF  }
0xc0: {  	[dreg:$0x0] =	wrdreg $0xFFFFFFFF;
	(pc) =	sbr.abs _section_cstart, $3  }
0xc1: {  	[dreg:$0x1] =	wrdreg $0xFFFFFFFF  }
0xc2: {  	_ =	task.clear_ibuf [dreg:s7], $0x2FFFF;
	_ =	strace $0x9FFFFFFF  }
0xc3: {  	(tm) =	ssettm $0x7FFFFFFF  }
tec
execute0_lowered:
.L_overlay_start_1:
0x0: {  	(tag) =	ssettag $0x1  }
0x1: {  	s0 =	srdreg.scid;
	s4 =	rddreg [dreg:$0x0]  }
0x2: {  	s6 =	stileid.u32;
	s10 =	rddreg [dreg:$0x1]  }
0x3: {  	s1 =	rddreg [dreg:$0x2];
	s2 =	simm.s32 $0x0;
	s12 =	simm.s32 $0x6  }
0x4: {  	s13 =	simm.s32 $0x80;
	s14 =	simm.s32 $0x1900;
	s15 =	simm.s32 $0x3900  }
0x5: {  	s17 =	simm.s32 $0x5900;
	s19 =	simm.s32 $0x7900;
	s21 =	simm.s32 $0x9900  }
0x6: {  	s22 =	simm.s32 $0x1;
	s23 =	simm.s32 $0x2;
	s24 =	simm.s32 $0x3  }
0x7: {  	s28 =	simm.s32 $0x0;
	s7 =	sand.u32 $0x1, s0;
	s5 =	smul.u32 $0x3200, s6  }
0x8: {  	s25 =	sshll.u32 s6, $0x1;
	[smem:$0x7FF] =	sst s2;
	s11 =	smul.u32 $0x19000, s6  }
0x9: {  	s3 =	sadd.s32 $0xE00, s4;
	p0 =	sne.s32 s6, $0x0;
	s8 =	smul.u32 $0x1900, s7  }
0xa: {  	s0 =	sor.u32 s7, s25;
	s9 =	ssub.s32 $0x2, s7;
	s7 =	smul.u32 $0xC800, s7  }
0xb: {  	_ =	strace $0x80000047;
	[dreg:$0x4] =	wrdreg s3;
	s0 =	smul.u32 $0x1900, s0  }
0xc: {  	s25 =	simm.s32 $0x4;
	s26 =	sshrl.u32 s9, $0x1;
	s5 =	sadd.s32 s8, s5  }
0xd: {  	s29 =	ssub.s32 s9, s26;
	s26 =	simm.s32 $0x5;
	s0 =	sshrl.u32 s0, $0x3  }
.Ltmp0:
0xe: {  	s5 =	sshll.u32 s5, $0x3;
	s31 =	smax.u32 s29, $0x1;
	(pc) =	sbr.rel .LBB2_1-.Ltmp0, $4  }
0xf: {  	s0 =	sadd.s32 s0, s4;
	s30 =	sadd.s32 s5, s10;
	[dreg:$0x6] =	wrdreg s31  }
0x10: {  	s10 =	sadd.s32 s11, s10;
	s11 =	sshrl.u32 @!p0 s1, $0x3;
	s0 =	sadd.s32 $0x1200, s0  }
0x11: {  	s16 =	sadd.s32 $0x1000, s30;
	s8 =	sadd.s32 $0x800, s30;
	s9 =	sadd.s32 $0x400, s30  }
0x12: {  	s10 =	sadd.s32 s7, s10;
	[dreg:$0x5] =	wrdreg s0;
	s0 =	sadd.s32 $0xC00, s30  }
.LBB2_4:
0x13: {  	s28 =	sadd.s32 $0x1, s28;
	s3 =	rddreg [dreg:$0x6]  }
0x14: {  	p1 =	sne.s32 s28, s3  }
.Ltmp1:
0x15: {  	_ = 	snop;
	(pc) =	sbr.rel @!p1 .LBB2_5-.Ltmp1, $1  }
0x16: {  	_ =	sdelay $0x3  }
.LBB2_1:
0x17: {  	s6 =	simm.s32 @!p0 $0x1C06;
	s3 =	rddreg [dreg:$0x4]  }
0x18: {  	[spmem:s11], [sflag:s6] =	dma.local @!p0 [hbm:s3], $0x300  }
0x19: {  	s6 =	simm.s32 @!p0 $0x6  }
0x1a: {  	_ =	swait.ge @!p0 [sflag:s6], $0x300  }
0x1b: {  	[sflag:s6] =	ssyncset.done @!p0 $0x0  }
0x1c: {  	[sflag:s6] =	ssyncadd.s32 @!p0 $0xFFFFFD00;
	s6 =	rddreg [dreg:$0x5]  }
0x1d: {  	[tilespmem:s2], [sflag:$0x6] =	stream.linear.gather [hbm4b:s6+s2], $0x1900, $0x38;
	[tilespmem:$0xBA80] =	vst v63  }
0x1e: {  	_ =	swait.ge [sflag:s12], $0x1900  }
0x1f: {  	[sflag:s12] =	ssyncset.done $0x0  }
0x20: {  	[sflag:s12] =	ssyncadd.s32 $0xFFFFE700  }
0x21: {  	[bflag:$0x0] =	sbarrier.arrive $0xFFFF  }
0x22: {  	[tilespmem:s14], [sflag:$0x1] =	stream.indirect.gather [spmem:s1], $0x40, s2, s13, $0xb8;
	[tilespmem:$0xBA80] =	vst v63  }
0x23: {  	_ = 	snop  }
0x24: {  	[tilespmem:s15], [sflag:$0x2] =	stream.indirect.gather [spmem:s1], $0x40, s13, s13, $0xb8;
	[tilespmem:$0xBA80] =	vst v63  }
0x25: {  	s7 =	simm.s32 $0x100;
	s18 =	simm.s32 $0x180;
	s20 =	simm.s32 $0x200  }
0x26: {  	[tilespmem:s17], [sflag:$0x3] =	stream.indirect.gather [spmem:s1], $0x40, s7, s13, $0xb8;
	[tilespmem:$0xBA80] =	vst v63  }
0x27: {  	s29 =	smov.u32 s10;
	s30 =	smov.u32 s9;
	s31 =	smov.u32 s8  }
0x28: {  	[tilespmem:s19], [sflag:$0x4] =	stream.indirect.gather [spmem:s1], $0x40, s18, s13, $0xb8;
	[tilespmem:$0xBA80] =	vst v63  }
0x29: {  	s6 =	smov.u32 s16;
	s7 =	smov.u32 s0;
	s18 =	simm.s32 $0x0  }
0x2a: {  	[tilespmem:s21], [sflag:$0x5] =	stream.indirect.gather [spmem:s1], $0x40, s20, s13, $0xb8;
	[tilespmem:$0xBA80] =	vst v63  }
.LBB2_2:
0x2b: {  	_ =	swait.ge [sflag:s22], $0x2000  }
0x2c: {  	[sflag:s22] =	ssyncset.done $0x0  }
0x2d: {  	[sflag:s22] =	ssyncadd.s32 $0xFFFFE000  }
0x2e: {  	[hbm4b:s29+s2] =	stream.linear.scatter [tilespmem:s14], [sflag:$0x6], $0x2000, $0x38;
	[tilespmem:$0xBA80] =	vst v63  }
0x2f: {  	p1 =	seq.s32 s18, $0x5A00;
	_ =	swait.ge [sflag:s12], $0x2000  }
0x30: {  	s20 =	sshra.s32 @!p1 s18, $0x2;
	s4 =	simm.s32 @!p1 $0x80;
	[sflag:s12] =	ssyncset.done $0x0  }
0x31: {  	s5 =	simm.s32 @!p1 $0x1900;
	s3 =	sadd.s32 @!p1 $0x280, s20;
	[sflag:s12] =	ssyncadd.s32 $0xFFFFE000  }
0x32: {  	[tilespmem:s5], [sflag:$0x1] =	stream.indirect.gather @!p1 [spmem:s1], $0x40, s3, s4, $0xb8;
	[tilespmem:$0xBA80] =	vst v63  }
0x33: {  	_ =	swait.ge [sflag:s23], $0x2000  }
0x34: {  	[sflag:s23] =	ssyncset.done $0x0  }
0x35: {  	[sflag:s23] =	ssyncadd.s32 $0xFFFFE000  }
0x36: {  	[hbm4b:s30+s2] =	stream.linear.scatter [tilespmem:s15], [sflag:$0x6], $0x2000, $0x38;
	[tilespmem:$0xBA80] =	vst v63  }
0x37: {  	_ =	swait.ge [sflag:s12], $0x2000  }
0x38: {  	[sflag:s12] =	ssyncset.done $0x0  }
0x39: {  	s3 =	sadd.s32 @!p1 $0x300, s20;
	s5 =	simm.s32 @!p1 $0x3900;
	[sflag:s12] =	ssyncadd.s32 $0xFFFFE000  }
0x3a: {  	[tilespmem:s5], [sflag:$0x2] =	stream.indirect.gather @!p1 [spmem:s1], $0x40, s3, s4, $0xb8;
	[tilespmem:$0xBA80] =	vst v63  }
0x3b: {  	_ =	swait.ge [sflag:s24], $0x2000  }
0x3c: {  	[sflag:s24] =	ssyncset.done $0x0  }
0x3d: {  	[sflag:s24] =	ssyncadd.s32 $0xFFFFE000  }
0x3e: {  	[hbm4b:s31+s2] =	stream.linear.scatter [tilespmem:s17], [sflag:$0x6], $0x2000, $0x38;
	[tilespmem:$0xBA80] =	vst v63  }
0x3f: {  	_ =	swait.ge [sflag:s12], $0x2000  }
0x40: {  	[sflag:s12] =	ssyncset.done $0x0  }
0x41: {  	s3 =	sadd.s32 @!p1 $0x380, s20;
	s5 =	simm.s32 @!p1 $0x5900;
	[sflag:s12] =	ssyncadd.s32 $0xFFFFE000  }
0x42: {  	[tilespmem:s5], [sflag:$0x3] =	stream.indirect.gather @!p1 [spmem:s1], $0x40, s3, s4, $0xb8;
	[tilespmem:$0xBA80] =	vst v63  }
0x43: {  	_ =	swait.ge [sflag:s25], $0x2000  }
0x44: {  	[sflag:s25] =	ssyncset.done $0x0  }
0x45: {  	[sflag:s25] =	ssyncadd.s32 $0xFFFFE000  }
0x46: {  	[hbm4b:s7+s2] =	stream.linear.scatter [tilespmem:s19], [sflag:$0x6], $0x2000, $0x38;
	[tilespmem:$0xBA80] =	vst v63  }
0x47: {  	_ =	swait.ge [sflag:s12], $0x2000  }
0x48: {  	[sflag:s12] =	ssyncset.done $0x0  }
0x49: {  	s3 =	sadd.s32 @!p1 $0x400, s20;
	s5 =	simm.s32 @!p1 $0x7900;
	[sflag:s12] =	ssyncadd.s32 $0xFFFFE000  }
0x4a: {  	[tilespmem:s5], [sflag:$0x4] =	stream.indirect.gather @!p1 [spmem:s1], $0x40, s3, s4, $0xb8;
	[tilespmem:$0xBA80] =	vst v63  }
0x4b: {  	_ =	swait.ge [sflag:s26], $0x2000  }
0x4c: {  	[sflag:s26] =	ssyncset.done $0x0  }
.Ltmp2:
0x4d: {  	[sflag:s26] =	ssyncadd.s32 $0xFFFFE000;
	(pc) =	sbr.rel @p1 .LBB2_4-.Ltmp2, $4  }
0x4e: {  	[hbm4b:s6+s2] =	stream.linear.scatter [tilespmem:s21], [sflag:$0x6], $0x2000, $0x38;
	[tilespmem:$0xBA80] =	vst v63  }
0x4f: {  	_ =	swait.ge [sflag:s12], $0x2000  }
0x50: {  	[sflag:s12] =	ssyncset.done $0x0  }
0x51: {  	[sflag:s12] =	ssyncadd.s32 $0xFFFFE000  }
.Ltmp3:
0x52: {  	(pc) =	sbr.rel .LBB2_2-.Ltmp3, $4  }
0x53: {  	s3 =	sshra.s32 s18, $0x2;
	s18 =	sadd.s32 $0xA00, s18  }
0x54: {  	s6 =	sadd.s32 $0x1400, s6;
	s7 =	sadd.s32 $0x1400, s7;
	s31 =	sadd.s32 $0x1400, s31  }
0x55: {  	s30 =	sadd.s32 $0x1400, s30;
	s29 =	sadd.s32 $0x1400, s29;
	s3 =	sadd.s32 $0x480, s3  }
0x56: {  	[tilespmem:s21], [sflag:$0x5] =	stream.indirect.gather [spmem:s1], $0x40, s3, s13, $0xb8;
	[tilespmem:$0xBA80] =	vst v63  }
.LBB2_5:
0x57: {  	_ =	sfence.sel $0x180000  }
0x58: {  	[bflag:$0x0] =	sbarrier.arrive $0xFFFF  }
0x59: {  	_ =	strace $0x90000047  }
0x5a: {  	[bflag:$0x2] =	sbarrier.arrive $0xFFFF  }
0x5b: {  	s0 =	rddreg [dreg:$0x3]  }
0x5c: {  	s0 =	sadd.s32 @!p0 $0x100000, s0  }
0x5d: {  	[sflag:s0] =	ssyncadd.tile.s32 @!p0 $0x1;
	_ =	shalt  }
.Lfunc_end2:
_tile_overlayer_lowered:
.L_overlay_start_2:
0x5e: {  	(tag) =	ssettag $0x2  }
0x5f: {  	s0 =	rddreg [dreg:$0x0];
	s2 =	stileid.u32  }
0x60: {  	s1 =	rddreg [dreg:$0x1];
	p0 =	sne.s32 s2, $0x0  }
0x61: {  	s3 =	rddreg [dreg:$0x2];
	[bflag:$0x3] =	sbarrier.arrive $0xFFFF;
	s2 =	simm.s32 @!p0 $0x1C06  }
0x62: {  	[timem:s3], [sflag:s2] =	dma.local @!p0 [hbm:s0], s1  }
0x63: {  	s0 =	simm.s32 @!p0 $0x6  }
0x64: {  	_ =	swait.ge @!p0 [sflag:s0], s1  }
0x65: {  	s1 =	ssub.s32 @!p0 $0x0, s1;
	[sflag:s0] =	ssyncset.done @!p0 $0x0  }
0x66: {  	[sflag:s0] =	ssyncadd.s32 @!p0 s1  }
0x67: {  	[bflag:$0x3] =	sbarrier.arrive $0xFFFF  }
0x68: {  	_ =	shalt  }

// kernel: sparse-core-data-format-call.cloned.1.call-start
scs
called_computation_lowered:
.L_overlay_start_0:
0x0: {  	s2 =	sld [smem:$0x3FD9]  }
0x1: {  	s3 =	sld [smem:$0x3FFE];
	_ =	sdelay $0x1  }
0x2: {  	s1 =	srdreg.scid  }
0x3: {  	s0 =	sand.u32 $0x1, s1  }
0x4: {  	s18 =	sshll.u32 s0, $0xA;
	s2 =	sadd.s32 s3, s2  }
0x5: {  	s2 =	sadd.s32 s2, s18  }
0x6: {  	[smem:$0x3FC1] =	sst s2  }
0x7: {  	_ = 	snop  }
0x8: {  	s2 =	sld [smem:$0x3FD0];
	(tm) =	ssettm $0x1  }
0x9: {  	s19 =	sld [smem:$0x3FFB];
	_ =	sdelay $0x3  }
0xa: {  	_ =	strace s19  }
0xb: {  	s3 =	sld [smem:$0x3FFC];
	_ =	sdelay $0x3  }
0xc: {  	_ =	strace s3  }
0xd: {  	s3 =	sld [smem:$0x3FFD];
	_ =	sdelay $0x3  }
0xe: {  	_ =	strace s3  }
0xf: {  	_ =	strace $0x8FFFFFFF  }
0x10: {  	s20 =	sld [smem:$0x3FDB];
	_ =	sdelay $0x1  }
0x11: {  	s4 =	simm.s32 $_scs_section_size  }
0x12: {  	s5 =	simm.s32 $_size__tile_overlayer_lowered;
	s6 =	simm.s32 $_tile_overlayer_lowered  }
0x13: {  	s23 =	simm.s32 $0x1BFF;
	s22 =	sshll.u32 s6, $0x1;
	s3 =	sadd.s32 s4, s20  }
0x14: {  	s7 =	simm.s32 $0x0;
	s21 =	sshll.u32 s5, $0x1;
	s5 =	sadd.s32 s22, s3  }
0x15: {  	[timem:s7], [sflag:s23] =	dma.local [hbm:s5], s21  }
0x16: {  	_ =	swait.ge [sflag:s23], s21  }
0x17: {  	s4 =	ssub.s32 $0x0, s21;
	[sflag:s23] =	ssyncset.done $0x0  }
0x18: {  	[sflag:s23] =	ssyncadd.s32 s4;
	_ =	sdelay $0x1  }
0x19: {  	s24 =	simm.s32 $0x1B8B  }
0x1a: {  	_ =	swait.ge [sflag:s24], $0x1  }
0x1b: {  	[sflag:s24] =	ssyncset.done $0x0  }
0x1c: {  	s26 =	simm.s32 $0x1B8E;
	s25 =	sld [smem:$0x3FFE];
	[sflag:s24] =	ssyncadd.s32 $0xFFFFFFFF  }
0x1d: {  	s27 =	simm.s32 $execute0_lowered;
	[smem:$0x3FD2] =	sst s26  }
0x1e: {  	s5 =	sshll.u32 s27, $0x1;
	_ =	strace $0x80000049;
	[dreg:$0x1] =	wrdreg $0xFFFFFFFF  }
0x1f: {  	s28 =	simm.s32 $_size_execute0_lowered;
	s3 =	sadd.s32 s3, s5;
	[dreg:$0x0] =	wrdreg $0x0  }
0x20: {  	s5 =	sshll.u32 s28, $0x1;
	[dreg:$0x2] =	wrdreg s3  }
0x21: {  	[dreg:$0x3] =	wrdreg s5  }
0x22: {  	[dreg:$0x4] =	wrdreg $0xC0  }
0x23: {  	_ =	task [dreg:s7], $0x5FFFF  }
0x24: {  	[dreg:$0x1] =	wrdreg $0xFFFFFFFF  }
0x25: {  	[dreg:$0x0] =	wrdreg $0x60  }
0x26: {  	[dreg:$0x2] =	wrdreg s25  }
0x27: {  	[dreg:$0x3] =	wrdreg s2  }
0x28: {  	[dreg:$0x4] =	wrdreg $0x9  }
0x29: {  	_ =	task.clear_ibuf [dreg:s7], $0x5FFFF;
	_ =	strace $0x90000049  }
0x2a: {  	s29 =	simm.s32 $0x9;
	_ =	strace $0x8000004B  }
0x2b: {  	_ =	swait.ge [sflag:s29], $0x1  }
0x2c: {  	[sflag:s29] =	ssyncadd.s32 $0xFFFFFFFF  }
0x2d: {  	_ =	strace $0x9000004B  }
0x2e: {  	_ =	sfence  }
0x2f: {  	s30 =	sld [smem:$0x0];
	_ =	sdelay $0x2  }
0x30: {  	s31 =	sshll.u32 s1, $0xD;
	s1 =	sshrl.u32 s1, $0x2  }
0x31: {  	s3 =	sand.u32 $0x4000, s31;
	s1 =	sadd.s32 s1, s30  }
0x32: {  	s0 =	sor.u32 s3, s0;
	s1 =	sshll.u32 s1, $0x11  }
0x33: {  	s0 =	sor.u32 s1, s0  }
0x34: {  	s0 =	sadd.s32 $0x8F2B, s0  }
0x35: {  	[sflag:s0] =	ssyncadd.remote.s32 $0x1  }
0x36: {  	_ =	sfence.sel $0xFFFF  }
0x37: {  	[dreg:$0x0] =	wrdreg $0xFFFFFFFF;
	(pc) =	sbr.abs _section_cstart, $3  }
0x38: {  	[dreg:$0x1] =	wrdreg $0xFFFFFFFF  }
0x39: {  	_ =	task.clear_ibuf [dreg:s7], $0x2FFFF;
	_ =	strace $0x9FFFFFFF  }
0x3a: {  	(tm) =	ssettm $0x7FFFFFFF  }
0x3b: {  	_ =	shalt  }
tec
execute0_lowered:
.L_overlay_start_1:
0x0: {  	(tag) =	ssettag $0x1  }
0x1: {  	s0 =	srdreg.scid  }
0x2: {  	s1 =	sshll.u32 s0, $0x4  }
0x3: {  	s0 =	stileid.u32;
	s1 =	sand.u32 $0x10, s1  }
0x4: {  	s1 =	sor.u32 s0, s1  }
0x5: {  	s6 =	rddreg [dreg:$0x0];
	s4 =	simm.s32 $0x1;
	s2 =	sshll.u32 s1, $0x7  }
0x6: {  	s7 =	simm.s32 $0x2;
	s12 =	simm.s32 $0x0;
	s1 =	ssub.s32 $0x1000, s2  }
0x7: {  	s8 =	simm.s32 $0x8000;
	s13 =	simm.s32 $0x0;
	s3 =	sand.u32 $0xF80, s1  }
0x8: {  	s9 =	simm.s32 $0x0;
	s5 =	sshrl.u32 s1, $0xC;
	p0 =	sne.s32 s3, $0x0  }
.Ltmp0:
0x9: {  	s1 =	rddreg [dreg:$0x2];
	s4 =	simm.s32 @!p0 $0x0;
	(pc) =	sbr.rel .LBB1_1-.Ltmp0, $4  }
0xa: {  	s11 =	simm.s32 $0x0;
	s3 =	rddreg [dreg:$0x1];
	s5 =	sadd.s32 s4, s5  }
0xb: {  	_ =	strace $0x8000004A;
	s4 =	simm.s32 $0x1;
	s5 =	smul.u32 $0x32, s5  }
0xc: {  	s6 =	sadd.s32 $0xE00, s6;
	s10 =	smov.u32 s2;
	[sflag:s4] =	ssyncpa.u1 $0x0  }
0xd: {  	p0 =	por $0x0, $0x0;
	[sflag:s7] =	ssyncpa.u1 $0x0;
	s7 =	sor.u32 $0x1, s5  }
.LBB1_4:
0xe: {  	s16 =	sshll.u32 s13, $0x3;
	s17 =	sand.u32 $0x78, s13  }
0xf: {  	s30 =	sand.u32 $0x7E00, s13;
	s12 =	sshll.u32 s12, $0xF;
	s16 =	sand.u32 $0xC00, s16  }
0x10: {  	[tilespmem:s15+$0x810 ss:$0x81] =	vst.msk $0xffff, v2;
	s31 =	sand.u32 $0x7, s13;
	s16 =	sor.u32 s17, s16;
	s17 =	sadd.s32 s3, s30  }
0x11: {  	[tilespmem:s15+$0x1020 ss:$0x81] =	vst.msk $0xffff, v0;
	s13 =	sshll.u32 s31, $0x12;
	s12 =	sadd.s32 s12, s17;
	s16 =	sshrl.u32 s16, $0x3  }
0x12: {  	[tilespmem:s15+$0x0 ss:$0x81] =	vst.msk $0xffff, v1;
	s13 =	sor.u32 $0x400, s13;
	s12 =	sadd.s32 s16, s12  }
0x13: {  	[hbm4b:s12+s13] =	stream.strided.scatter [tilespmem:s14], [sflag:$0x2], $0x2000, s8, s13, $0x20;
	[tilespmem:$0x8080] =	vst v63  }
.LBB1_5:
0x14: {  	s14 =	sadd.s32 $0x1, s9  }
0x15: {  	s12 =	sadd.s32 $0x1000, s10;
	s16 =	smov.u32 s10;
	p2 =	sgt.s32 s14, $0x31  }
0x16: {  	s16 =	smov.u32 @p2 s12  }
0x17: {  	s14 =	simm.s32 @p2 $0x0;
	p2 =	sgt.s32 s16, $0xFFF  }
0x18: {  	s16 =	smov.u32 @p2 s2;
	p2 =	sne.s32 s11, s7  }
.Ltmp1:
0x19: {  	p1 =	slt.u32 s11, $0x2;
	(pc) =	sbr.rel @!p2 .LBB1_6-.Ltmp1, $4  }
0x1a: {  	s15 =	simm.s32 @!p1 $0x2  }
0x1b: {  	s13 =	smov.u32 s10;
	p0 =	por !p0, !p0;
	_ =	swait.ge @!p1 [sflag:s15], $0x2000  }
0x1c: {  	s12 =	smov.u32 s9;
	[sflag:s15] =	ssyncset.done @!p1 $0x0;
	s9 =	smov.u32 s14  }
0x1d: {  	s11 =	sadd.s32 $0x1, s11;
	[sflag:s15] =	ssyncadd.s32 @!p1 $0xFFFFE000;
	s10 =	smov.u32 s16  }
.LBB1_1:
0x1e: {  	p1 =	sge.u32 s11, s5  }
0x1f: {  	s14 =	sand.u32 @!p1 $0x1FFFFFF, s9  }
0x20: {  	s15 =	smulhi.u32 @!p1 $0x4924925, s14;
	_ =	sdelay $0x1  }
0x21: {  	s15 =	smul.u32 @!p1 $0x38, s15  }
0x22: {  	s16 =	sxor.u32 @!p1 $0xFFFFFFFF, s11;
	s17 =	smul.u32 @!p1 $0x380, s10  }
0x23: {  	s31 =	sadd.s32 $0xFFFFFFFF, s11;
	s16 =	sshll.u32 @!p1 s16, $0xD;
	s14 =	ssub.s32 @!p1 s14, s15  }
0x24: {  	s15 =	sand.u32 @!p1 $0x2000, s16;
	s16 =	sadd.s32 @!p1 s6, s17;
	s14 =	sshll.u32 @!p1 s14, $0x4  }
0x25: {  	s17 =	simm.s32 @!p1 $0x1C00;
	s14 =	sadd.s32 @!p1 s14, s16;
	s16 =	simm.s32 @!p1 $0x40  }
0x26: {  	[tilespmem:s15], [sflag:$0x1] =	stream.strided.gather @!p1 [hbm4b:s14+s16], $0x2000, s17, s16, $0x38;
	[tilespmem:$0x8080] =	vst v63  }
0x27: {  	p1 =	sge.u32 s31, s5  }
.Ltmp2:
0x28: {  	_ = 	snop;
	(pc) =	sbr.rel @p1 .LBB1_5-.Ltmp2, $1  }
0x29: {  	_ =	sdelay $0x3  }
0x2a: {  	s14 =	simm.s32 $0x1  }
0x2b: {  	_ =	swait.ge [sflag:s4], $0x2000;
	s14 =	simm.s32 @!p0 $0x0  }
0x2c: {  	[sflag:s4] =	ssyncset.done $0x0;
	s15 =	sshll.u32 s14, $0xD  }
0x2d: {  	[sflag:s4] =	ssyncadd.s32 $0xFFFFE000;
	s18 =	sor.u32 $0x20, s15  }
0x2e: {  	s14 =	smul.u32 $0x8100, s14;
	v3 =	vld [tilespmem:s18+$0x10]  }
0x2f: {  	s30 =	sand.u32 $0x1, s11;
	v2 =	vld [tilespmem:s18+$0xFFFFFFF0]  }
0x30: {  	s15 =	smul.u32 $0x8100, s30;
	s14 =	sshrl.u32 s14, $0x2;
	v0 =	vld [tilespmem:s18+$0x0]  }
0x31: {  	v1 =	vld [tilespmem:s18+$0xFFFFFFE0];
	s16 =	sor.u32 $0x4000, s14  }
0x32: {  	s31 =	sshrl.u32 s15, $0x2;
	s15 =	sadd.s32 $0x0, s16  }
0x33: {  	s17 =	simm.s32 $0x4;
	s18 =	sadd.s32 $0x40, s18;
	s14 =	sor.u32 $0x4000, s31;
	[tilespmem:s15+$0x1830 ss:$0x81] =	vst.msk $0xffff, v3  }
.LBB1_3:
0x34: {  	v3 =	vld [tilespmem:s18+$0x10];
	p1 =	sne.s32 s17, $0x1FC;
	[tilespmem:s15+$0x810 ss:$0x81] =	vst.msk $0xffff, v2;
	s19 =	smov.u32 s17;
	s17 =	sadd.s32 $0x4, s17  }
.Ltmp3:
0x35: {  	v2 =	vld [tilespmem:s18+$0xFFFFFFF0];
	[tilespmem:s15+$0x1020 ss:$0x81] =	vst.msk $0xffff, v0;
	(pc) =	sbr.rel @p1 .LBB1_3-.Ltmp3, $4  }
0x36: {  	v0 =	vld [tilespmem:s18+$0x0];
	[tilespmem:s15+$0x0 ss:$0x81] =	vst.msk $0xffff, v1  }
0x37: {  	s15 =	sshra.s32 s19, $0x2;
	v1 =	vld [tilespmem:s18+$0xFFFFFFE0]  }
0x38: {  	s15 =	sadd.s32 s15, s16  }
0x39: {  	s18 =	sadd.s32 $0x40, s18;
	[tilespmem:s15+$0x1830 ss:$0x81] =	vst.msk $0xffff, v3  }
.Ltmp4:
0x3a: {  	_ = 	snop;
	(pc) =	sbr.rel .LBB1_4-.Ltmp4, $1  }
0x3b: {  	_ =	sdelay $0x3  }
.LBB1_6:
0x3c: {  	_ =	sfence.sel $0x180000  }
0x3d: {  	s2 =	simm.s32 $0x1;
	[bflag:$0x0] =	sbarrier.arrive $0xFFFF  }
0x3e: {  	s31 =	simm.s32 $0x2;
	[sflag:s2] =	ssyncpa.u1 $0x1  }
0x3f: {  	[sflag:s31] =	ssyncpa.u1 $0x1  }
0x40: {  	p0 =	sne.s32 s0, $0x0;
	_ =	strace $0x9000004A  }
0x41: {  	s0 =	sadd.s32 @!p0 $0x100000, s1;
	[bflag:$0x2] =	sbarrier.arrive $0xFFFF  }
0x42: {  	[sflag:s0] =	ssyncadd.tile.s32 @!p0 $0x1;
	_ =	shalt  }
.Lfunc_end1:
_tile_overlayer_lowered:
.L_overlay_start_2:
0x43: {  	(tag) =	ssettag $0x2  }
0x44: {  	s0 =	rddreg [dreg:$0x0];
	s2 =	stileid.u32  }
0x45: {  	s1 =	rddreg [dreg:$0x1];
	p0 =	sne.s32 s2, $0x0  }
0x46: {  	s3 =	rddreg [dreg:$0x2];
	[bflag:$0x3] =	sbarrier.arrive $0xFFFF;
	s2 =	simm.s32 @!p0 $0x1C01  }
0x47: {  	[timem:s3], [sflag:s2] =	dma.local @!p0 [hbm:s0], s1  }
0x48: {  	s0 =	simm.s32 @!p0 $0x1  }
0x49: {  	_ =	swait.ge @!p0 [sflag:s0], s1  }
0x4a: {  	s1 =	ssub.s32 @!p0 $0x0, s1;
	[sflag:s0] =	ssyncset.done @!p0 $0x0  }
0x4b: {  	[sflag:s0] =	ssyncadd.s32 @!p0 s1  }
0x4c: {  	[bflag:$0x3] =	sbarrier.arrive $0xFFFF  }
0x4d: {  	_ =	shalt  }

</sc_bundles>
